<compile_context>
chip_gen: v7x
topology: tpu7x:2x2x1
jax: 0.10.2.dev20260603
libtpu: 0.0.44.dev20260713+nightly
codegen_flags: <defaults>
</compile_context>

<pallas_src>
import functools

import jax
import jax.numpy as jnp
from jax import lax
from jax.experimental import pallas as pl
from jax.experimental.pallas import tpu as pltpu
from jax.experimental.pallas import tpu_sc as plsc

_ROWS_BLOCK = 10000
_GATHER_WINDOW = 128


def _transform_body(t_ref, w_ref, b_ref, o_ref):
    x = t_ref[...]
    row_ids = lax.broadcasted_iota(jnp.int32, x.shape, 0)
    is_row0 = jnp.logical_and(pl.program_id(0) == 0, row_ids == 0)
    x = jnp.where(is_row0, 0.0, x)
    y = lax.dot_general(
        x,
        w_ref[...],
        (((1,), (1,)), ((), ())),
        preferred_element_type=jnp.float32,
        precision=lax.Precision.DEFAULT,
    )
    o_ref[...] = jnp.maximum(y + b_ref[...], 0.0)


def _transform_table(table, W, b):
    num_rows, embed_dim = table.shape
    out_dim = W.shape[0]
    grid = num_rows // _ROWS_BLOCK
    return pl.pallas_call(
        _transform_body,
        grid=(grid,),
        in_specs=[
            pl.BlockSpec((_ROWS_BLOCK, embed_dim), lambda i: (i, 0)),
            pl.BlockSpec((out_dim, embed_dim), lambda i: (0, 0)),
            pl.BlockSpec((1, out_dim), lambda i: (0, 0)),
        ],
        out_specs=pl.BlockSpec((_ROWS_BLOCK, out_dim), lambda i: (i, 0)),
        out_shape=jax.ShapeDtypeStruct((num_rows, out_dim), jnp.float32),
    )(table, W, b.reshape(1, out_dim))


def _sc_gather(t2, idx_flat):
    n = idx_flat.shape[0]
    out_dim = t2.shape[1]
    num_workers = 32
    per_worker = n // num_workers
    chunk = _GATHER_WINDOW
    steps = per_worker // chunk
    idx_blk = 1024
    items_per_blk = idx_blk // chunk
    num_blks = per_worker // idx_blk
    mesh = plsc.VectorSubcoreMesh(core_axis_name="c", subcore_axis_name="s")

    @functools.partial(
        pl.kernel,
        out_type=jax.ShapeDtypeStruct((n, out_dim), jnp.float32),
        mesh=mesh,
        scratch_types=(
            [pltpu.VMEM((idx_blk,), jnp.int32)] * 4
            + [pltpu.VMEM((chunk, out_dim), jnp.float32)] * 4
            + [pltpu.SemaphoreType.DMA] * 12
        ),
    )
    def gather_kernel(t2_hbm, i_hbm, o_hbm,
                      idx0, idx1, idx2, idx3, rows0, rows1, rows2, rows3,
                      isem0, isem1, isem2, isem3,
                      gsem0, gsem1, gsem2, gsem3,
                      ssem0, ssem1, ssem2, ssem3):
        idx_bufs = (idx0, idx1, idx2, idx3)
        rows_bufs = (rows0, rows1, rows2, rows3)
        isems = (isem0, isem1, isem2, isem3)
        gsems = (gsem0, gsem1, gsem2, gsem3)
        ssems = (ssem0, ssem1, ssem2, ssem3)
        nb = 4
        wid = lax.axis_index("s") * 2 + lax.axis_index("c")
        base = wid * per_worker

        def idx_copy(blk, ib):
            return pltpu.make_async_copy(
                i_hbm.at[pl.ds(base + blk * idx_blk, idx_blk)],
                idx_bufs[ib], isems[ib])

        def gather_copy(ib, item_in_blk, rb):
            return pltpu.make_async_copy(
                t2_hbm.at[idx_bufs[ib].at[pl.ds(item_in_blk * chunk, chunk)]],
                rows_bufs[rb], gsems[rb])

        def store_copy(j, rb):
            return pltpu.make_async_copy(
                rows_bufs[rb], o_hbm.at[pl.ds(base + j * chunk, chunk)],
                ssems[rb])

        idx_copy(0, 0).start()

        @pl.loop(0, num_blks, step=4)
        def _(B):
            for ib in range(4):
                blk = B + ib
                idx_copy(blk, ib).wait()

                @pl.when(blk + 1 < num_blks)
                def _():
                    idx_copy(blk + 1, (ib + 1) % 4).start()

                @pl.loop(0, items_per_blk, step=nb)
                def _(q):
                    for rb in range(nb):
                        j = blk * items_per_blk + q + rb

                        @pl.when(j >= nb)
                        def _():
                            store_copy(j - nb, rb).wait()

                        gather_copy(ib, q + rb, rb).start()

                        @pl.when(j >= 2)
                        def _():
                            gather_copy(ib, q + rb, (rb - 2) % nb).wait()
                            store_copy(j - 2, (rb - 2) % nb).start()

        for k in (2, 1):
            j = steps - k
            rbk = j % nb
            gather_copy(0, 0, rbk).wait()
            store_copy(j, rbk).start()
        for rb in range(nb):
            store_copy(steps - 1, rb).wait()

    return gather_kernel(t2, idx_flat)


def kernel(category, table, W, b):
    batch, hist = category.shape
    t2 = _transform_table(table, W, b)
    idx = category.reshape(-1).astype(jnp.int32)
    out = _sc_gather(t2, idx)
    return out.reshape(batch, hist, W.shape[0])

# --- scband reference (transcript-rebuilt; emitter-appended) ---
"""Pipeline reference for scband-linear-encoder-66614942761566 (READ-ONLY COPY).

The authoritative reference and input builder live on the scoring server;
editing this copy changes nothing except your own understanding.
"""

import jax, jax.numpy as jnp
import numpy as np

NUM_CATEGORIES = 100000
EMBED_DIM = 128
OUTPUT_DIM = 128
BATCH = 16384
HIST = 200


def setup_inputs(seed: int = 0) -> dict:
    key = jax.random.key(seed)
    k1, k2, k3, k4 = jax.random.split(key, 4)
    category = jax.random.randint(k1, (BATCH, HIST), 0, NUM_CATEGORIES, dtype=jnp.int64 if jax.config.jax_enable_x64 else jnp.int32)
    table = jax.random.normal(k2, (NUM_CATEGORIES, EMBED_DIM), dtype=jnp.float32)
    # nn.Linear default init: U(-1/sqrt(in), 1/sqrt(in))
    bound = 1.0 / np.sqrt(EMBED_DIM)
    W = jax.random.uniform(k3, (OUTPUT_DIM, EMBED_DIM), dtype=jnp.float32, minval=-bound, maxval=bound)
    b = jax.random.uniform(k4, (OUTPUT_DIM,), dtype=jnp.float32, minval=-bound, maxval=bound)
    return {"category": category, "table": table, "W": W, "b": b}


def reference(category, table, W, b):
    # padding_idx=0: row 0 of the embedding table is treated as zeros
    table_eff = table.at[0].set(0.0)
    # embedding lookup (gather)
    vec = jnp.take(table_eff, category, axis=0)  # [B, L, D]
    # use_dropout=False -> no dropout
    # linear_transform=True -> relu(Linear(vec))
    out = jax.nn.relu(jnp.einsum('bld,od->blo', vec, W) + b)
    return out

if __name__ == "__main__":
    import jax
    _d = setup_inputs()
    print(jax.jit(kernel)(*tuple(_d.values())))

</pallas_src>

<mosaic_0001>
#map = affine_map<(d0, d1) -> (0, 0)>
#map1 = affine_map<(d0, d1) -> (0)>
module attributes {stable_mosaic.version = 14 : i64} {
  func.func @gather_kernel(%arg0: i32, %arg1: i32, %arg2: memref<100000x128xf32, #tpu.memory_space<hbm>>, %arg3: memref<3276800xi32, #tpu.memory_space<hbm>>, %arg4: memref<3276800x128xf32, #tpu.memory_space<hbm>>, %arg5: memref<1024xi32, #tpu.memory_space<vmem>>, %arg6: memref<1024xi32, #tpu.memory_space<vmem>>, %arg7: memref<1024xi32, #tpu.memory_space<vmem>>, %arg8: memref<1024xi32, #tpu.memory_space<vmem>>, %arg9: memref<128x128xf32, #tpu.memory_space<vmem>>, %arg10: memref<128x128xf32, #tpu.memory_space<vmem>>, %arg11: memref<128x128xf32, #tpu.memory_space<vmem>>, %arg12: memref<128x128xf32, #tpu.memory_space<vmem>>, %arg13: memref<!tpu.dma_semaphore, #tpu.memory_space<semaphore_mem>>, %arg14: memref<!tpu.dma_semaphore, #tpu.memory_space<semaphore_mem>>, %arg15: memref<!tpu.dma_semaphore, #tpu.memory_space<semaphore_mem>>, %arg16: memref<!tpu.dma_semaphore, #tpu.memory_space<semaphore_mem>>, %arg17: memref<!tpu.dma_semaphore, #tpu.memory_space<semaphore_mem>>, %arg18: memref<!tpu.dma_semaphore, #tpu.memory_space<semaphore_mem>>, %arg19: memref<!tpu.dma_semaphore, #tpu.memory_space<semaphore_mem>>, %arg20: memref<!tpu.dma_semaphore, #tpu.memory_space<semaphore_mem>>, %arg21: memref<!tpu.dma_semaphore, #tpu.memory_space<semaphore_mem>>, %arg22: memref<!tpu.dma_semaphore, #tpu.memory_space<semaphore_mem>>, %arg23: memref<!tpu.dma_semaphore, #tpu.memory_space<semaphore_mem>>, %arg24: memref<!tpu.dma_semaphore, #tpu.memory_space<semaphore_mem>>) attributes {dimension_semantics = [#tpu.dimension_semantics<core_parallel>, #tpu.dimension_semantics<subcore_parallel>], iteration_bounds = array<i64: 2, 16>, scalar_prefetch = 0 : i64, scratch_operands = 20 : i64, tpu.core_type = #tpu.core_type<sc_vector_subcore>, window_params = [{transform_indices = #map}, {transform_indices = #map1}, {transform_indices = #map}]} {
    %mul3A = arith.constant 2 : i32
    %mul3A_0 = arith.muli %arg1, %mul3A : i32
    %add3A = arith.addi %mul3A_0, %arg0 : i32
    %mul3A_1 = arith.constant 102400 : i32
    %mul3A_2 = arith.muli %add3A, %mul3A_1 : i32
    %add3A_3 = arith.constant 0 : i32
    %add3A_4 = arith.addi %mul3A_2, %add3A_3 : i32
    %dma_start3A = tpu.memref_slice %arg3[%add3A_4] : memref<3276800xi32, #tpu.memory_space<hbm>> -> memref<1024xi32, #tpu.memory_space<hbm>>
    %dma_start3A_5 = tpu.memref_slice %arg3[%add3A_4] : memref<3276800xi32, #tpu.memory_space<hbm>> -> memref<1024xi32, #tpu.memory_space<hbm>>
    tpu.enqueue_dma source(%dma_start3A_5 : memref<1024xi32, #tpu.memory_space<hbm>>) target(%arg5 : memref<1024xi32, #tpu.memory_space<vmem>>) target_semaphore(%arg13 : memref<!tpu.dma_semaphore, #tpu.memory_space<semaphore_mem>>)
    %scan3A = arith.constant 0 : i32
    %scan3A_6 = arith.constant 25 : i32
    %scan3A_7 = arith.addi %scan3A, %scan3A_6 : i32
    %scan3A_8 = arith.constant 1 : i32
    scf.for %scan3A_55 = %scan3A to %scan3A_7 step %scan3A_8  : i32 {
      %mul3A_56 = arith.constant 4 : i32
      %mul3A_57 = arith.muli %scan3A_55, %mul3A_56 : i32
      %add3A_58 = arith.constant 0 : i32
      %add3A_59 = arith.addi %add3A_58, %mul3A_57 : i32
      %add3A_60 = arith.constant 0 : i32
      %add3A_61 = arith.addi %add3A_59, %add3A_60 : i32
      %mul3A_62 = arith.constant 1024 : i32
      %mul3A_63 = arith.muli %add3A_61, %mul3A_62 : i32
      %add3A_64 = arith.addi %mul3A_2, %mul3A_63 : i32
      %dma_wait3A_65 = tpu.memref_slice %arg3[%add3A_64] : memref<3276800xi32, #tpu.memory_space<hbm>> -> memref<1024xi32, #tpu.memory_space<hbm>>
      %dma_wait3A_66 = tpu.memref_slice %arg3[%add3A_64] : memref<3276800xi32, #tpu.memory_space<hbm>> -> memref<1024xi32, #tpu.memory_space<hbm>>
      tpu.wait_dma2 semaphore(%arg13 : memref<!tpu.dma_semaphore, #tpu.memory_space<semaphore_mem>>) src(%dma_wait3A_66 : memref<1024xi32, #tpu.memory_space<hbm>>) dst(%arg5 : memref<1024xi32, #tpu.memory_space<vmem>>)
      %add3A_67 = arith.constant 1 : i32
      %add3A_68 = arith.addi %add3A_61, %add3A_67 : i32
      %lt3A = arith.constant 100 : i32
      %lt3A_69 = arith.cmpi slt, %add3A_68, %lt3A : i32
      %convert_element_type3A = arith.extui %lt3A_69 : i1 to i32
      %cond3A = arith.constant 0 : i32
      %cond3A_70 = arith.cmpi ne, %convert_element_type3A, %cond3A : i32
      scf.if %cond3A_70 {
        %add3A_133 = arith.constant 1 : i32
        %add3A_134 = arith.addi %add3A_61, %add3A_133 : i32
        %mul3A_135 = arith.constant 1024 : i32
        %mul3A_136 = arith.muli %add3A_134, %mul3A_135 : i32
        %add3A_137 = arith.addi %mul3A_2, %mul3A_136 : i32
        %dma_start3A_138 = tpu.memref_slice %arg3[%add3A_137] : memref<3276800xi32, #tpu.memory_space<hbm>> -> memref<1024xi32, #tpu.memory_space<hbm>>
        %dma_start3A_139 = tpu.memref_slice %arg3[%add3A_137] : memref<3276800xi32, #tpu.memory_space<hbm>> -> memref<1024xi32, #tpu.memory_space<hbm>>
        tpu.enqueue_dma source(%dma_start3A_139 : memref<1024xi32, #tpu.memory_space<hbm>>) target(%arg6 : memref<1024xi32, #tpu.memory_space<vmem>>) target_semaphore(%arg14 : memref<!tpu.dma_semaphore, #tpu.memory_space<semaphore_mem>>)
      } else {
      }
      %scan3A_71 = arith.constant 0 : i32
      %scan3A_72 = arith.constant 2 : i32
      %scan3A_73 = arith.addi %scan3A_71, %scan3A_72 : i32
      %scan3A_74 = arith.constant 1 : i32
      scf.for %scan3A_133 = %scan3A_71 to %scan3A_73 step %scan3A_74  : i32 {
        %mul3A_134 = arith.constant 4 : i32
        %mul3A_135 = arith.muli %scan3A_133, %mul3A_134 : i32
        %add3A_136 = arith.constant 0 : i32
        %add3A_137 = arith.addi %add3A_136, %mul3A_135 : i32
        %mul3A_138 = arith.constant 8 : i32
        %mul3A_139 = arith.muli %add3A_61, %mul3A_138 : i32
        %add3A_140 = arith.addi %mul3A_139, %add3A_137 : i32
        %add3A_141 = arith.constant 0 : i32
        %add3A_142 = arith.addi %add3A_140, %add3A_141 : i32
        %ge3A = arith.constant 4 : i32
        %ge3A_143 = arith.cmpi sge, %add3A_142, %ge3A : i32
        %convert_element_type3A_144 = arith.extui %ge3A_143 : i1 to i32
        %cond3A_145 = arith.constant 0 : i32
        %cond3A_146 = arith.cmpi ne, %convert_element_type3A_144, %cond3A_145 : i32
        scf.if %cond3A_146 {
          %sub3A = arith.constant 4 : i32
          %sub3A_229 = arith.subi %add3A_142, %sub3A : i32
          %mul3A_230 = arith.constant 128 : i32
          %mul3A_231 = arith.muli %sub3A_229, %mul3A_230 : i32
          %add3A_232 = arith.addi %mul3A_2, %mul3A_231 : i32
          %dma_wait3A_233 = arith.constant 0 : i32
          %dma_wait3A_234 = tpu.memref_slice %arg4[%add3A_232, %dma_wait3A_233] : memref<3276800x128xf32, #tpu.memory_space<hbm>> -> memref<128x128xf32, #tpu.memory_space<hbm>>
          %dma_wait3A_235 = arith.constant 0 : i32
          %dma_wait3A_236 = tpu.memref_slice %arg4[%add3A_232, %dma_wait3A_235] : memref<3276800x128xf32, #tpu.memory_space<hbm>> -> memref<128x128xf32, #tpu.memory_space<hbm>>
          tpu.wait_dma2 semaphore(%arg21 : memref<!tpu.dma_semaphore, #tpu.memory_space<semaphore_mem>>) src(%arg9 : memref<128x128xf32, #tpu.memory_space<vmem>>) dst(%dma_wait3A_236 : memref<128x128xf32, #tpu.memory_space<hbm>>)
        } else {
        }
        %add3A_147 = arith.constant 0 : i32
        %add3A_148 = arith.addi %add3A_137, %add3A_147 : i32
        %mul3A_149 = arith.constant 128 : i32
        %mul3A_150 = arith.muli %add3A_148, %mul3A_149 : i32
        %dma_start3A_151 = tpu.memref_slice %arg5[%mul3A_150] : memref<1024xi32, #tpu.memory_space<vmem>> -> memref<128xi32, #tpu.memory_space<vmem>>
        %dma_start3A_152 = arith.constant 0 : i32
        %dma_start3A_153 = arith.constant 0 : i32
        %dma_start3A_154 = tpu.memref_slice %arg2[%dma_start3A_152, %dma_start3A_153] : memref<100000x128xf32, #tpu.memory_space<hbm>> -> memref<100000x128xf32, #tpu.memory_space<hbm>>
        tpu.enqueue_indirect_dma source(%dma_start3A_154 : memref<100000x128xf32, #tpu.memory_space<hbm>>) target(%arg9 : memref<128x128xf32, #tpu.memory_space<vmem>>) offsets(%dma_start3A_151 : memref<128xi32, #tpu.memory_space<vmem>>) semaphore(%arg17 : memref<!tpu.dma_semaphore, #tpu.memory_space<semaphore_mem>>)
        %ge3A_155 = arith.constant 2 : i32
        %ge3A_156 = arith.cmpi sge, %add3A_142, %ge3A_155 : i32
        %convert_element_type3A_157 = arith.extui %ge3A_156 : i1 to i32
        %cond3A_158 = arith.constant 0 : i32
        %cond3A_159 = arith.cmpi ne, %convert_element_type3A_157, %cond3A_158 : i32
        scf.if %cond3A_159 {
          %add3A_229 = arith.constant 0 : i32
          %add3A_230 = arith.addi %add3A_137, %add3A_229 : i32
          %mul3A_231 = arith.constant 128 : i32
          %mul3A_232 = arith.muli %add3A_230, %mul3A_231 : i32
          %dma_wait3A_233 = tpu.memref_slice %arg5[%mul3A_232] : memref<1024xi32, #tpu.memory_space<vmem>> -> memref<128xi32, #tpu.memory_space<vmem>>
          %dma_wait3A_234 = arith.constant 0 : i32
          %dma_wait3A_235 = arith.constant 0 : i32
          %dma_wait3A_236 = tpu.memref_slice %arg2[%dma_wait3A_234, %dma_wait3A_235] : memref<100000x128xf32, #tpu.memory_space<hbm>> -> memref<100000x128xf32, #tpu.memory_space<hbm>>
          tpu.wait_indirect_dma semaphore(%arg19 : memref<!tpu.dma_semaphore, #tpu.memory_space<semaphore_mem>>) src(%dma_wait3A_236 : memref<100000x128xf32, #tpu.memory_space<hbm>>) dst(%arg11 : memref<128x128xf32, #tpu.memory_space<vmem>>)
          %sub3A = arith.constant 2 : i32
          %sub3A_237 = arith.subi %add3A_142, %sub3A : i32
          %mul3A_238 = arith.constant 128 : i32
          %mul3A_239 = arith.muli %sub3A_237, %mul3A_238 : i32
          %add3A_240 = arith.addi %mul3A_2, %mul3A_239 : i32
          %dma_start3A_241 = arith.constant 0 : i32
          %dma_start3A_242 = tpu.memref_slice %arg4[%add3A_240, %dma_start3A_241] : memref<3276800x128xf32, #tpu.memory_space<hbm>> -> memref<128x128xf32, #tpu.memory_space<hbm>>
          %dma_start3A_243 = arith.constant 0 : i32
          %dma_start3A_244 = tpu.memref_slice %arg4[%add3A_240, %dma_start3A_243] : memref<3276800x128xf32, #tpu.memory_space<hbm>> -> memref<128x128xf32, #tpu.memory_space<hbm>>
          tpu.enqueue_dma source(%arg11 : memref<128x128xf32, #tpu.memory_space<vmem>>) target(%dma_start3A_244 : memref<128x128xf32, #tpu.memory_space<hbm>>) target_semaphore(%arg23 : memref<!tpu.dma_semaphore, #tpu.memory_space<semaphore_mem>>)
        } else {
        }
        %mul3A_160 = arith.constant 8 : i32
        %mul3A_161 = arith.muli %add3A_61, %mul3A_160 : i32
        %add3A_162 = arith.addi %mul3A_161, %add3A_137 : i32
        %add3A_163 = arith.constant 1 : i32
        %add3A_164 = arith.addi %add3A_162, %add3A_163 : i32
        %ge3A_165 = arith.constant 4 : i32
        %ge3A_166 = arith.cmpi sge, %add3A_164, %ge3A_165 : i32
        %convert_element_type3A_167 = arith.extui %ge3A_166 : i1 to i32
        %cond3A_168 = arith.constant 0 : i32
        %cond3A_169 = arith.cmpi ne, %convert_element_type3A_167, %cond3A_168 : i32
        scf.if %cond3A_169 {
          %sub3A = arith.constant 4 : i32
          %sub3A_229 = arith.subi %add3A_164, %sub3A : i32
          %mul3A_230 = arith.constant 128 : i32
          %mul3A_231 = arith.muli %sub3A_229, %mul3A_230 : i32
          %add3A_232 = arith.addi %mul3A_2, %mul3A_231 : i32
          %dma_wait3A_233 = arith.constant 0 : i32
          %dma_wait3A_234 = tpu.memref_slice %arg4[%add3A_232, %dma_wait3A_233] : memref<3276800x128xf32, #tpu.memory_space<hbm>> -> memref<128x128xf32, #tpu.memory_space<hbm>>
          %dma_wait3A_235 = arith.constant 0 : i32
          %dma_wait3A_236 = tpu.memref_slice %arg4[%add3A_232, %dma_wait3A_235] : memref<3276800x128xf32, #tpu.memory_space<hbm>> -> memref<128x128xf32, #tpu.memory_space<hbm>>
          tpu.wait_dma2 semaphore(%arg22 : memref<!tpu.dma_semaphore, #tpu.memory_space<semaphore_mem>>) src(%arg10 : memref<128x128xf32, #tpu.memory_space<vmem>>) dst(%dma_wait3A_236 : memref<128x128xf32, #tpu.memory_space<hbm>>)
        } else {
        }
        %add3A_170 = arith.constant 1 : i32
        %add3A_171 = arith.addi %add3A_137, %add3A_170 : i32
        %mul3A_172 = arith.constant 128 : i32
        %mul3A_173 = arith.muli %add3A_171, %mul3A_172 : i32
        %dma_start3A_174 = tpu.memref_slice %arg5[%mul3A_173] : memref<1024xi32, #tpu.memory_space<vmem>> -> memref<128xi32, #tpu.memory_space<vmem>>
        %dma_start3A_175 = arith.constant 0 : i32
        %dma_start3A_176 = arith.constant 0 : i32
        %dma_start3A_177 = tpu.memref_slice %arg2[%dma_start3A_175, %dma_start3A_176] : memref<100000x128xf32, #tpu.memory_space<hbm>> -> memref<100000x128xf32, #tpu.memory_space<hbm>>
        tpu.enqueue_indirect_dma source(%dma_start3A_177 : memref<100000x128xf32, #tpu.memory_space<hbm>>) target(%arg10 : memref<128x128xf32, #tpu.memory_space<vmem>>) offsets(%dma_start3A_174 : memref<128xi32, #tpu.memory_space<vmem>>) semaphore(%arg18 : memref<!tpu.dma_semaphore, #tpu.memory_space<semaphore_mem>>)
        %ge3A_178 = arith.constant 2 : i32
        %ge3A_179 = arith.cmpi sge, %add3A_164, %ge3A_178 : i32
        %convert_element_type3A_180 = arith.extui %ge3A_179 : i1 to i32
        %cond3A_181 = arith.constant 0 : i32
        %cond3A_182 = arith.cmpi ne, %convert_element_type3A_180, %cond3A_181 : i32
        scf.if %cond3A_182 {
          %add3A_229 = arith.constant 1 : i32
          %add3A_230 = arith.addi %add3A_137, %add3A_229 : i32
          %mul3A_231 = arith.constant 128 : i32
          %mul3A_232 = arith.muli %add3A_230, %mul3A_231 : i32
          %dma_wait3A_233 = tpu.memref_slice %arg5[%mul3A_232] : memref<1024xi32, #tpu.memory_space<vmem>> -> memref<128xi32, #tpu.memory_space<vmem>>
          %dma_wait3A_234 = arith.constant 0 : i32
          %dma_wait3A_235 = arith.constant 0 : i32
          %dma_wait3A_236 = tpu.memref_slice %arg2[%dma_wait3A_234, %dma_wait3A_235] : memref<100000x128xf32, #tpu.memory_space<hbm>> -> memref<100000x128xf32, #tpu.memory_space<hbm>>
          tpu.wait_indirect_dma semaphore(%arg20 : memref<!tpu.dma_semaphore, #tpu.memory_space<semaphore_mem>>) src(%dma_wait3A_236 : memref<100000x128xf32, #tpu.memory_space<hbm>>) dst(%arg12 : memref<128x128xf32, #tpu.memory_space<vmem>>)
          %sub3A = arith.constant 2 : i32
          %sub3A_237 = arith.subi %add3A_164, %sub3A : i32
          %mul3A_238 = arith.constant 128 : i32
          %mul3A_239 = arith.muli %sub3A_237, %mul3A_238 : i32
          %add3A_240 = arith.addi %mul3A_2, %mul3A_239 : i32
          %dma_start3A_241 = arith.constant 0 : i32
          %dma_start3A_242 = tpu.memref_slice %arg4[%add3A_240, %dma_start3A_241] : memref<3276800x128xf32, #tpu.memory_space<hbm>> -> memref<128x128xf32, #tpu.memory_space<hbm>>
          %dma_start3A_243 = arith.constant 0 : i32
          %dma_start3A_244 = tpu.memref_slice %arg4[%add3A_240, %dma_start3A_243] : memref<3276800x128xf32, #tpu.memory_space<hbm>> -> memref<128x128xf32, #tpu.memory_space<hbm>>
          tpu.enqueue_dma source(%arg12 : memref<128x128xf32, #tpu.memory_space<vmem>>) target(%dma_start3A_244 : memref<128x128xf32, #tpu.memory_space<hbm>>) target_semaphore(%arg24 : memref<!tpu.dma_semaphore, #tpu.memory_space<semaphore_mem>>)
        } else {
        }
        %mul3A_183 = arith.constant 8 : i32
        %mul3A_184 = arith.muli %add3A_61, %mul3A_183 : i32
        %add3A_185 = arith.addi %mul3A_184, %add3A_137 : i32
        %add3A_186 = arith.constant 2 : i32
        %add3A_187 = arith.addi %add3A_185, %add3A_186 : i32
        %ge3A_188 = arith.constant 4 : i32
        %ge3A_189 = arith.cmpi sge, %add3A_187, %ge3A_188 : i32
        %convert_element_type3A_190 = arith.extui %ge3A_189 : i1 to i32
        %cond3A_191 = arith.constant 0 : i32
        %cond3A_192 = arith.cmpi ne, %convert_element_type3A_190, %cond3A_191 : i32
        scf.if %cond3A_192 {
          %sub3A = arith.constant 4 : i32
          %sub3A_229 = arith.subi %add3A_187, %sub3A : i32
          %mul3A_230 = arith.constant 128 : i32
          %mul3A_231 = arith.muli %sub3A_229, %mul3A_230 : i32
          %add3A_232 = arith.addi %mul3A_2, %mul3A_231 : i32
          %dma_wait3A_233 = arith.constant 0 : i32
          %dma_wait3A_234 = tpu.memref_slice %arg4[%add3A_232, %dma_wait3A_233] : memref<3276800x128xf32, #tpu.memory_space<hbm>> -> memref<128x128xf32, #tpu.memory_space<hbm>>
          %dma_wait3A_235 = arith.constant 0 : i32
          %dma_wait3A_236 = tpu.memref_slice %arg4[%add3A_232, %dma_wait3A_235] : memref<3276800x128xf32, #tpu.memory_space<hbm>> -> memref<128x128xf32, #tpu.memory_space<hbm>>
          tpu.wait_dma2 semaphore(%arg23 : memref<!tpu.dma_semaphore, #tpu.memory_space<semaphore_mem>>) src(%arg11 : memref<128x128xf32, #tpu.memory_space<vmem>>) dst(%dma_wait3A_236 : memref<128x128xf32, #tpu.memory_space<hbm>>)
        } else {
        }
        %add3A_193 = arith.constant 2 : i32
        %add3A_194 = arith.addi %add3A_137, %add3A_193 : i32
        %mul3A_195 = arith.constant 128 : i32
        %mul3A_196 = arith.muli %add3A_194, %mul3A_195 : i32
        %dma_start3A_197 = tpu.memref_slice %arg5[%mul3A_196] : memref<1024xi32, #tpu.memory_space<vmem>> -> memref<128xi32, #tpu.memory_space<vmem>>
        %dma_start3A_198 = arith.constant 0 : i32
        %dma_start3A_199 = arith.constant 0 : i32
        %dma_start3A_200 = tpu.memref_slice %arg2[%dma_start3A_198, %dma_start3A_199] : memref<100000x128xf32, #tpu.memory_space<hbm>> -> memref<100000x128xf32, #tpu.memory_space<hbm>>
        tpu.enqueue_indirect_dma source(%dma_start3A_200 : memref<100000x128xf32, #tpu.memory_space<hbm>>) target(%arg11 : memref<128x128xf32, #tpu.memory_space<vmem>>) offsets(%dma_start3A_197 : memref<128xi32, #tpu.memory_space<vmem>>) semaphore(%arg19 : memref<!tpu.dma_semaphore, #tpu.memory_space<semaphore_mem>>)
        %ge3A_201 = arith.constant 2 : i32
        %ge3A_202 = arith.cmpi sge, %add3A_187, %ge3A_201 : i32
        %convert_element_type3A_203 = arith.extui %ge3A_202 : i1 to i32
        %cond3A_204 = arith.constant 0 : i32
        %cond3A_205 = arith.cmpi ne, %convert_element_type3A_203, %cond3A_204 : i32
        scf.if %cond3A_205 {
          %add3A_229 = arith.constant 2 : i32
          %add3A_230 = arith.addi %add3A_137, %add3A_229 : i32
          %mul3A_231 = arith.constant 128 : i32
          %mul3A_232 = arith.muli %add3A_230, %mul3A_231 : i32
          %dma_wait3A_233 = tpu.memref_slice %arg5[%mul3A_232] : memref<1024xi32, #tpu.memory_space<vmem>> -> memref<128xi32, #tpu.memory_space<vmem>>
          %dma_wait3A_234 = arith.constant 0 : i32
          %dma_wait3A_235 = arith.constant 0 : i32
          %dma_wait3A_236 = tpu.memref_slice %arg2[%dma_wait3A_234, %dma_wait3A_235] : memref<100000x128xf32, #tpu.memory_space<hbm>> -> memref<100000x128xf32, #tpu.memory_space<hbm>>
          tpu.wait_indirect_dma semaphore(%arg17 : memref<!tpu.dma_semaphore, #tpu.memory_space<semaphore_mem>>) src(%dma_wait3A_236 : memref<100000x128xf32, #tpu.memory_space<hbm>>) dst(%arg9 : memref<128x128xf32, #tpu.memory_space<vmem>>)
          %sub3A = arith.constant 2 : i32
          %sub3A_237 = arith.subi %add3A_187, %sub3A : i32
          %mul3A_238 = arith.constant 128 : i32
          %mul3A_239 = arith.muli %sub3A_237, %mul3A_238 : i32
          %add3A_240 = arith.addi %mul3A_2, %mul3A_239 : i32
          %dma_start3A_241 = arith.constant 0 : i32
          %dma_start3A_242 = tpu.memref_slice %arg4[%add3A_240, %dma_start3A_241] : memref<3276800x128xf32, #tpu.memory_space<hbm>> -> memref<128x128xf32, #tpu.memory_space<hbm>>
          %dma_start3A_243 = arith.constant 0 : i32
          %dma_start3A_244 = tpu.memref_slice %arg4[%add3A_240, %dma_start3A_243] : memref<3276800x128xf32, #tpu.memory_space<hbm>> -> memref<128x128xf32, #tpu.memory_space<hbm>>
          tpu.enqueue_dma source(%arg9 : memref<128x128xf32, #tpu.memory_space<vmem>>) target(%dma_start3A_244 : memref<128x128xf32, #tpu.memory_space<hbm>>) target_semaphore(%arg21 : memref<!tpu.dma_semaphore, #tpu.memory_space<semaphore_mem>>)
        } else {
        }
        %mul3A_206 = arith.constant 8 : i32
        %mul3A_207 = arith.muli %add3A_61, %mul3A_206 : i32
        %add3A_208 = arith.addi %mul3A_207, %add3A_137 : i32
        %add3A_209 = arith.constant 3 : i32
        %add3A_210 = arith.addi %add3A_208, %add3A_209 : i32
        %ge3A_211 = arith.constant 4 : i32
        %ge3A_212 = arith.cmpi sge, %add3A_210, %ge3A_211 : i32
        %convert_element_type3A_213 = arith.extui %ge3A_212 : i1 to i32
        %cond3A_214 = arith.constant 0 : i32
        %cond3A_215 = arith.cmpi ne, %convert_element_type3A_213, %cond3A_214 : i32
        scf.if %cond3A_215 {
          %sub3A = arith.constant 4 : i32
          %sub3A_229 = arith.subi %add3A_210, %sub3A : i32
          %mul3A_230 = arith.constant 128 : i32
          %mul3A_231 = arith.muli %sub3A_229, %mul3A_230 : i32
          %add3A_232 = arith.addi %mul3A_2, %mul3A_231 : i32
          %dma_wait3A_233 = arith.constant 0 : i32
          %dma_wait3A_234 = tpu.memref_slice %arg4[%add3A_232, %dma_wait3A_233] : memref<3276800x128xf32, #tpu.memory_space<hbm>> -> memref<128x128xf32, #tpu.memory_space<hbm>>
          %dma_wait3A_235 = arith.constant 0 : i32
          %dma_wait3A_236 = tpu.memref_slice %arg4[%add3A_232, %dma_wait3A_235] : memref<3276800x128xf32, #tpu.memory_space<hbm>> -> memref<128x128xf32, #tpu.memory_space<hbm>>
          tpu.wait_dma2 semaphore(%arg24 : memref<!tpu.dma_semaphore, #tpu.memory_space<semaphore_mem>>) src(%arg12 : memref<128x128xf32, #tpu.memory_space<vmem>>) dst(%dma_wait3A_236 : memref<128x128xf32, #tpu.memory_space<hbm>>)
        } else {
        }
        %add3A_216 = arith.constant 3 : i32
        %add3A_217 = arith.addi %add3A_137, %add3A_216 : i32
        %mul3A_218 = arith.constant 128 : i32
        %mul3A_219 = arith.muli %add3A_217, %mul3A_218 : i32
        %dma_start3A_220 = tpu.memref_slice %arg5[%mul3A_219] : memref<1024xi32, #tpu.memory_space<vmem>> -> memref<128xi32, #tpu.memory_space<vmem>>
        %dma_start3A_221 = arith.constant 0 : i32
        %dma_start3A_222 = arith.constant 0 : i32
        %dma_start3A_223 = tpu.memref_slice %arg2[%dma_start3A_221, %dma_start3A_222] : memref<100000x128xf32, #tpu.memory_space<hbm>> -> memref<100000x128xf32, #tpu.memory_space<hbm>>
        tpu.enqueue_indirect_dma source(%dma_start3A_223 : memref<100000x128xf32, #tpu.memory_space<hbm>>) target(%arg12 : memref<128x128xf32, #tpu.memory_space<vmem>>) offsets(%dma_start3A_220 : memref<128xi32, #tpu.memory_space<vmem>>) semaphore(%arg20 : memref<!tpu.dma_semaphore, #tpu.memory_space<semaphore_mem>>)
        %ge3A_224 = arith.constant 2 : i32
        %ge3A_225 = arith.cmpi sge, %add3A_210, %ge3A_224 : i32
        %convert_element_type3A_226 = arith.extui %ge3A_225 : i1 to i32
        %cond3A_227 = arith.constant 0 : i32
        %cond3A_228 = arith.cmpi ne, %convert_element_type3A_226, %cond3A_227 : i32
        scf.if %cond3A_228 {
          %add3A_229 = arith.constant 3 : i32
          %add3A_230 = arith.addi %add3A_137, %add3A_229 : i32
          %mul3A_231 = arith.constant 128 : i32
          %mul3A_232 = arith.muli %add3A_230, %mul3A_231 : i32
          %dma_wait3A_233 = tpu.memref_slice %arg5[%mul3A_232] : memref<1024xi32, #tpu.memory_space<vmem>> -> memref<128xi32, #tpu.memory_space<vmem>>
          %dma_wait3A_234 = arith.constant 0 : i32
          %dma_wait3A_235 = arith.constant 0 : i32
          %dma_wait3A_236 = tpu.memref_slice %arg2[%dma_wait3A_234, %dma_wait3A_235] : memref<100000x128xf32, #tpu.memory_space<hbm>> -> memref<100000x128xf32, #tpu.memory_space<hbm>>
          tpu.wait_indirect_dma semaphore(%arg18 : memref<!tpu.dma_semaphore, #tpu.memory_space<semaphore_mem>>) src(%dma_wait3A_236 : memref<100000x128xf32, #tpu.memory_space<hbm>>) dst(%arg10 : memref<128x128xf32, #tpu.memory_space<vmem>>)
          %sub3A = arith.constant 2 : i32
          %sub3A_237 = arith.subi %add3A_210, %sub3A : i32
          %mul3A_238 = arith.constant 128 : i32
          %mul3A_239 = arith.muli %sub3A_237, %mul3A_238 : i32
          %add3A_240 = arith.addi %mul3A_2, %mul3A_239 : i32
          %dma_start3A_241 = arith.constant 0 : i32
          %dma_start3A_242 = tpu.memref_slice %arg4[%add3A_240, %dma_start3A_241] : memref<3276800x128xf32, #tpu.memory_space<hbm>> -> memref<128x128xf32, #tpu.memory_space<hbm>>
          %dma_start3A_243 = arith.constant 0 : i32
          %dma_start3A_244 = tpu.memref_slice %arg4[%add3A_240, %dma_start3A_243] : memref<3276800x128xf32, #tpu.memory_space<hbm>> -> memref<128x128xf32, #tpu.memory_space<hbm>>
          tpu.enqueue_dma source(%arg10 : memref<128x128xf32, #tpu.memory_space<vmem>>) target(%dma_start3A_244 : memref<128x128xf32, #tpu.memory_space<hbm>>) target_semaphore(%arg22 : memref<!tpu.dma_semaphore, #tpu.memory_space<semaphore_mem>>)
        } else {
        }
      }
      %scan3A_75 = arith.constant 2 : i32
      %add3A_76 = arith.constant 1 : i32
      %add3A_77 = arith.addi %add3A_59, %add3A_76 : i32
      %mul3A_78 = arith.constant 1024 : i32
      %mul3A_79 = arith.muli %add3A_77, %mul3A_78 : i32
      %add3A_80 = arith.addi %mul3A_2, %mul3A_79 : i32
      %dma_wait3A_81 = tpu.memref_slice %arg3[%add3A_80] : memref<3276800xi32, #tpu.memory_space<hbm>> -> memref<1024xi32, #tpu.memory_space<hbm>>
      %dma_wait3A_82 = tpu.memref_slice %arg3[%add3A_80] : memref<3276800xi32, #tpu.memory_space<hbm>> -> memref<1024xi32, #tpu.memory_space<hbm>>
      tpu.wait_dma2 semaphore(%arg14 : memref<!tpu.dma_semaphore, #tpu.memory_space<semaphore_mem>>) src(%dma_wait3A_82 : memref<1024xi32, #tpu.memory_space<hbm>>) dst(%arg6 : memref<1024xi32, #tpu.memory_space<vmem>>)
      %add3A_83 = arith.constant 1 : i32
      %add3A_84 = arith.addi %add3A_77, %add3A_83 : i32
      %lt3A_85 = arith.constant 100 : i32
      %lt3A_86 = arith.cmpi slt, %add3A_84, %lt3A_85 : i32
      %convert_element_type3A_87 = arith.extui %lt3A_86 : i1 to i32
      %cond3A_88 = arith.constant 0 : i32
      %cond3A_89 = arith.cmpi ne, %convert_element_type3A_87, %cond3A_88 : i32
      scf.if %cond3A_89 {
        %add3A_133 = arith.constant 1 : i32
        %add3A_134 = arith.addi %add3A_77, %add3A_133 : i32
        %mul3A_135 = arith.constant 1024 : i32
        %mul3A_136 = arith.muli %add3A_134, %mul3A_135 : i32
        %add3A_137 = arith.addi %mul3A_2, %mul3A_136 : i32
        %dma_start3A_138 = tpu.memref_slice %arg3[%add3A_137] : memref<3276800xi32, #tpu.memory_space<hbm>> -> memref<1024xi32, #tpu.memory_space<hbm>>
        %dma_start3A_139 = tpu.memref_slice %arg3[%add3A_137] : memref<3276800xi32, #tpu.memory_space<hbm>> -> memref<1024xi32, #tpu.memory_space<hbm>>
        tpu.enqueue_dma source(%dma_start3A_139 : memref<1024xi32, #tpu.memory_space<hbm>>) target(%arg7 : memref<1024xi32, #tpu.memory_space<vmem>>) target_semaphore(%arg15 : memref<!tpu.dma_semaphore, #tpu.memory_space<semaphore_mem>>)
      } else {
      }
      %scan3A_90 = arith.constant 0 : i32
      %scan3A_91 = arith.constant 2 : i32
      %scan3A_92 = arith.addi %scan3A_90, %scan3A_91 : i32
      %scan3A_93 = arith.constant 1 : i32
      scf.for %scan3A_133 = %scan3A_90 to %scan3A_92 step %scan3A_93  : i32 {
        %mul3A_134 = arith.constant 4 : i32
        %mul3A_135 = arith.muli %scan3A_133, %mul3A_134 : i32
        %add3A_136 = arith.constant 0 : i32
        %add3A_137 = arith.addi %add3A_136, %mul3A_135 : i32
        %mul3A_138 = arith.constant 8 : i32
        %mul3A_139 = arith.muli %add3A_77, %mul3A_138 : i32
        %add3A_140 = arith.addi %mul3A_139, %add3A_137 : i32
        %add3A_141 = arith.constant 0 : i32
        %add3A_142 = arith.addi %add3A_140, %add3A_141 : i32
        %ge3A = arith.constant 4 : i32
        %ge3A_143 = arith.cmpi sge, %add3A_142, %ge3A : i32
        %convert_element_type3A_144 = arith.extui %ge3A_143 : i1 to i32
        %cond3A_145 = arith.constant 0 : i32
        %cond3A_146 = arith.cmpi ne, %convert_element_type3A_144, %cond3A_145 : i32
        scf.if %cond3A_146 {
          %sub3A = arith.constant 4 : i32
          %sub3A_229 = arith.subi %add3A_142, %sub3A : i32
          %mul3A_230 = arith.constant 128 : i32
          %mul3A_231 = arith.muli %sub3A_229, %mul3A_230 : i32
          %add3A_232 = arith.addi %mul3A_2, %mul3A_231 : i32
          %dma_wait3A_233 = arith.constant 0 : i32
          %dma_wait3A_234 = tpu.memref_slice %arg4[%add3A_232, %dma_wait3A_233] : memref<3276800x128xf32, #tpu.memory_space<hbm>> -> memref<128x128xf32, #tpu.memory_space<hbm>>
          %dma_wait3A_235 = arith.constant 0 : i32
          %dma_wait3A_236 = tpu.memref_slice %arg4[%add3A_232, %dma_wait3A_235] : memref<3276800x128xf32, #tpu.memory_space<hbm>> -> memref<128x128xf32, #tpu.memory_space<hbm>>
          tpu.wait_dma2 semaphore(%arg21 : memref<!tpu.dma_semaphore, #tpu.memory_space<semaphore_mem>>) src(%arg9 : memref<128x128xf32, #tpu.memory_space<vmem>>) dst(%dma_wait3A_236 : memref<128x128xf32, #tpu.memory_space<hbm>>)
        } else {
        }
        %add3A_147 = arith.constant 0 : i32
        %add3A_148 = arith.addi %add3A_137, %add3A_147 : i32
        %mul3A_149 = arith.constant 128 : i32
        %mul3A_150 = arith.muli %add3A_148, %mul3A_149 : i32
        %dma_start3A_151 = tpu.memref_slice %arg6[%mul3A_150] : memref<1024xi32, #tpu.memory_space<vmem>> -> memref<128xi32, #tpu.memory_space<vmem>>
        %dma_start3A_152 = arith.constant 0 : i32
        %dma_start3A_153 = arith.constant 0 : i32
        %dma_start3A_154 = tpu.memref_slice %arg2[%dma_start3A_152, %dma_start3A_153] : memref<100000x128xf32, #tpu.memory_space<hbm>> -> memref<100000x128xf32, #tpu.memory_space<hbm>>
        tpu.enqueue_indirect_dma source(%dma_start3A_154 : memref<100000x128xf32, #tpu.memory_space<hbm>>) target(%arg9 : memref<128x128xf32, #tpu.memory_space<vmem>>) offsets(%dma_start3A_151 : memref<128xi32, #tpu.memory_space<vmem>>) semaphore(%arg17 : memref<!tpu.dma_semaphore, #tpu.memory_space<semaphore_mem>>)
        %ge3A_155 = arith.constant 2 : i32
        %ge3A_156 = arith.cmpi sge, %add3A_142, %ge3A_155 : i32
        %convert_element_type3A_157 = arith.extui %ge3A_156 : i1 to i32
        %cond3A_158 = arith.constant 0 : i32
        %cond3A_159 = arith.cmpi ne, %convert_element_type3A_157, %cond3A_158 : i32
        scf.if %cond3A_159 {
          %add3A_229 = arith.constant 0 : i32
          %add3A_230 = arith.addi %add3A_137, %add3A_229 : i32
          %mul3A_231 = arith.constant 128 : i32
          %mul3A_232 = arith.muli %add3A_230, %mul3A_231 : i32
          %dma_wait3A_233 = tpu.memref_slice %arg6[%mul3A_232] : memref<1024xi32, #tpu.memory_space<vmem>> -> memref<128xi32, #tpu.memory_space<vmem>>
          %dma_wait3A_234 = arith.constant 0 : i32
          %dma_wait3A_235 = arith.constant 0 : i32
          %dma_wait3A_236 = tpu.memref_slice %arg2[%dma_wait3A_234, %dma_wait3A_235] : memref<100000x128xf32, #tpu.memory_space<hbm>> -> memref<100000x128xf32, #tpu.memory_space<hbm>>
          tpu.wait_indirect_dma semaphore(%arg19 : memref<!tpu.dma_semaphore, #tpu.memory_space<semaphore_mem>>) src(%dma_wait3A_236 : memref<100000x128xf32, #tpu.memory_space<hbm>>) dst(%arg11 : memref<128x128xf32, #tpu.memory_space<vmem>>)
          %sub3A = arith.constant 2 : i32
          %sub3A_237 = arith.subi %add3A_142, %sub3A : i32
          %mul3A_238 = arith.constant 128 : i32
          %mul3A_239 = arith.muli %sub3A_237, %mul3A_238 : i32
          %add3A_240 = arith.addi %mul3A_2, %mul3A_239 : i32
          %dma_start3A_241 = arith.constant 0 : i32
          %dma_start3A_242 = tpu.memref_slice %arg4[%add3A_240, %dma_start3A_241] : memref<3276800x128xf32, #tpu.memory_space<hbm>> -> memref<128x128xf32, #tpu.memory_space<hbm>>
          %dma_start3A_243 = arith.constant 0 : i32
          %dma_start3A_244 = tpu.memref_slice %arg4[%add3A_240, %dma_start3A_243] : memref<3276800x128xf32, #tpu.memory_space<hbm>> -> memref<128x128xf32, #tpu.memory_space<hbm>>
          tpu.enqueue_dma source(%arg11 : memref<128x128xf32, #tpu.memory_space<vmem>>) target(%dma_start3A_244 : memref<128x128xf32, #tpu.memory_space<hbm>>) target_semaphore(%arg23 : memref<!tpu.dma_semaphore, #tpu.memory_space<semaphore_mem>>)
        } else {
        }
        %mul3A_160 = arith.constant 8 : i32
        %mul3A_161 = arith.muli %add3A_77, %mul3A_160 : i32
        %add3A_162 = arith.addi %mul3A_161, %add3A_137 : i32
        %add3A_163 = arith.constant 1 : i32
        %add3A_164 = arith.addi %add3A_162, %add3A_163 : i32
        %ge3A_165 = arith.constant 4 : i32
        %ge3A_166 = arith.cmpi sge, %add3A_164, %ge3A_165 : i32
        %convert_element_type3A_167 = arith.extui %ge3A_166 : i1 to i32
        %cond3A_168 = arith.constant 0 : i32
        %cond3A_169 = arith.cmpi ne, %convert_element_type3A_167, %cond3A_168 : i32
        scf.if %cond3A_169 {
          %sub3A = arith.constant 4 : i32
          %sub3A_229 = arith.subi %add3A_164, %sub3A : i32
          %mul3A_230 = arith.constant 128 : i32
          %mul3A_231 = arith.muli %sub3A_229, %mul3A_230 : i32
          %add3A_232 = arith.addi %mul3A_2, %mul3A_231 : i32
          %dma_wait3A_233 = arith.constant 0 : i32
          %dma_wait3A_234 = tpu.memref_slice %arg4[%add3A_232, %dma_wait3A_233] : memref<3276800x128xf32, #tpu.memory_space<hbm>> -> memref<128x128xf32, #tpu.memory_space<hbm>>
          %dma_wait3A_235 = arith.constant 0 : i32
          %dma_wait3A_236 = tpu.memref_slice %arg4[%add3A_232, %dma_wait3A_235] : memref<3276800x128xf32, #tpu.memory_space<hbm>> -> memref<128x128xf32, #tpu.memory_space<hbm>>
          tpu.wait_dma2 semaphore(%arg22 : memref<!tpu.dma_semaphore, #tpu.memory_space<semaphore_mem>>) src(%arg10 : memref<128x128xf32, #tpu.memory_space<vmem>>) dst(%dma_wait3A_236 : memref<128x128xf32, #tpu.memory_space<hbm>>)
        } else {
        }
        %add3A_170 = arith.constant 1 : i32
        %add3A_171 = arith.addi %add3A_137, %add3A_170 : i32
        %mul3A_172 = arith.constant 128 : i32
        %mul3A_173 = arith.muli %add3A_171, %mul3A_172 : i32
        %dma_start3A_174 = tpu.memref_slice %arg6[%mul3A_173] : memref<1024xi32, #tpu.memory_space<vmem>> -> memref<128xi32, #tpu.memory_space<vmem>>
        %dma_start3A_175 = arith.constant 0 : i32
        %dma_start3A_176 = arith.constant 0 : i32
        %dma_start3A_177 = tpu.memref_slice %arg2[%dma_start3A_175, %dma_start3A_176] : memref<100000x128xf32, #tpu.memory_space<hbm>> -> memref<100000x128xf32, #tpu.memory_space<hbm>>
        tpu.enqueue_indirect_dma source(%dma_start3A_177 : memref<100000x128xf32, #tpu.memory_space<hbm>>) target(%arg10 : memref<128x128xf32, #tpu.memory_space<vmem>>) offsets(%dma_start3A_174 : memref<128xi32, #tpu.memory_space<vmem>>) semaphore(%arg18 : memref<!tpu.dma_semaphore, #tpu.memory_space<semaphore_mem>>)
        %ge3A_178 = arith.constant 2 : i32
        %ge3A_179 = arith.cmpi sge, %add3A_164, %ge3A_178 : i32
        %convert_element_type3A_180 = arith.extui %ge3A_179 : i1 to i32
        %cond3A_181 = arith.constant 0 : i32
        %cond3A_182 = arith.cmpi ne, %convert_element_type3A_180, %cond3A_181 : i32
        scf.if %cond3A_182 {
          %add3A_229 = arith.constant 1 : i32
          %add3A_230 = arith.addi %add3A_137, %add3A_229 : i32
          %mul3A_231 = arith.constant 128 : i32
          %mul3A_232 = arith.muli %add3A_230, %mul3A_231 : i32
          %dma_wait3A_233 = tpu.memref_slice %arg6[%mul3A_232] : memref<1024xi32, #tpu.memory_space<vmem>> -> memref<128xi32, #tpu.memory_space<vmem>>
          %dma_wait3A_234 = arith.constant 0 : i32
          %dma_wait3A_235 = arith.constant 0 : i32
          %dma_wait3A_236 = tpu.memref_slice %arg2[%dma_wait3A_234, %dma_wait3A_235] : memref<100000x128xf32, #tpu.memory_space<hbm>> -> memref<100000x128xf32, #tpu.memory_space<hbm>>
          tpu.wait_indirect_dma semaphore(%arg20 : memref<!tpu.dma_semaphore, #tpu.memory_space<semaphore_mem>>) src(%dma_wait3A_236 : memref<100000x128xf32, #tpu.memory_space<hbm>>) dst(%arg12 : memref<128x128xf32, #tpu.memory_space<vmem>>)
          %sub3A = arith.constant 2 : i32
          %sub3A_237 = arith.subi %add3A_164, %sub3A : i32
          %mul3A_238 = arith.constant 128 : i32
          %mul3A_239 = arith.muli %sub3A_237, %mul3A_238 : i32
          %add3A_240 = arith.addi %mul3A_2, %mul3A_239 : i32
          %dma_start3A_241 = arith.constant 0 : i32
          %dma_start3A_242 = tpu.memref_slice %arg4[%add3A_240, %dma_start3A_241] : memref<3276800x128xf32, #tpu.memory_space<hbm>> -> memref<128x128xf32, #tpu.memory_space<hbm>>
          %dma_start3A_243 = arith.constant 0 : i32
          %dma_start3A_244 = tpu.memref_slice %arg4[%add3A_240, %dma_start3A_243] : memref<3276800x128xf32, #tpu.memory_space<hbm>> -> memref<128x128xf32, #tpu.memory_space<hbm>>
          tpu.enqueue_dma source(%arg12 : memref<128x128xf32, #tpu.memory_space<vmem>>) target(%dma_start3A_244 : memref<128x128xf32, #tpu.memory_space<hbm>>) target_semaphore(%arg24 : memref<!tpu.dma_semaphore, #tpu.memory_space<semaphore_mem>>)
        } else {
        }
        %mul3A_183 = arith.constant 8 : i32
        %mul3A_184 = arith.muli %add3A_77, %mul3A_183 : i32
        %add3A_185 = arith.addi %mul3A_184, %add3A_137 : i32
        %add3A_186 = arith.constant 2 : i32
        %add3A_187 = arith.addi %add3A_185, %add3A_186 : i32
        %ge3A_188 = arith.constant 4 : i32
        %ge3A_189 = arith.cmpi sge, %add3A_187, %ge3A_188 : i32
        %convert_element_type3A_190 = arith.extui %ge3A_189 : i1 to i32
        %cond3A_191 = arith.constant 0 : i32
        %cond3A_192 = arith.cmpi ne, %convert_element_type3A_190, %cond3A_191 : i32
        scf.if %cond3A_192 {
          %sub3A = arith.constant 4 : i32
          %sub3A_229 = arith.subi %add3A_187, %sub3A : i32
          %mul3A_230 = arith.constant 128 : i32
          %mul3A_231 = arith.muli %sub3A_229, %mul3A_230 : i32
          %add3A_232 = arith.addi %mul3A_2, %mul3A_231 : i32
          %dma_wait3A_233 = arith.constant 0 : i32
          %dma_wait3A_234 = tpu.memref_slice %arg4[%add3A_232, %dma_wait3A_233] : memref<3276800x128xf32, #tpu.memory_space<hbm>> -> memref<128x128xf32, #tpu.memory_space<hbm>>
          %dma_wait3A_235 = arith.constant 0 : i32
          %dma_wait3A_236 = tpu.memref_slice %arg4[%add3A_232, %dma_wait3A_235] : memref<3276800x128xf32, #tpu.memory_space<hbm>> -> memref<128x128xf32, #tpu.memory_space<hbm>>
          tpu.wait_dma2 semaphore(%arg23 : memref<!tpu.dma_semaphore, #tpu.memory_space<semaphore_mem>>) src(%arg11 : memref<128x128xf32, #tpu.memory_space<vmem>>) dst(%dma_wait3A_236 : memref<128x128xf32, #tpu.memory_space<hbm>>)
        } else {
        }
        %add3A_193 = arith.constant 2 : i32
        %add3A_194 = arith.addi %add3A_137, %add3A_193 : i32
        %mul3A_195 = arith.constant 128 : i32
        %mul3A_196 = arith.muli %add3A_194, %mul3A_195 : i32
        %dma_start3A_197 = tpu.memref_slice %arg6[%mul3A_196] : memref<1024xi32, #tpu.memory_space<vmem>> -> memref<128xi32, #tpu.memory_space<vmem>>
        %dma_start3A_198 = arith.constant 0 : i32
        %dma_start3A_199 = arith.constant 0 : i32
        %dma_start3A_200 = tpu.memref_slice %arg2[%dma_start3A_198, %dma_start3A_199] : memref<100000x128xf32, #tpu.memory_space<hbm>> -> memref<100000x128xf32, #tpu.memory_space<hbm>>
        tpu.enqueue_indirect_dma source(%dma_start3A_200 : memref<100000x128xf32, #tpu.memory_space<hbm>>) target(%arg11 : memref<128x128xf32, #tpu.memory_space<vmem>>) offsets(%dma_start3A_197 : memref<128xi32, #tpu.memory_space<vmem>>) semaphore(%arg19 : memref<!tpu.dma_semaphore, #tpu.memory_space<semaphore_mem>>)
        %ge3A_201 = arith.constant 2 : i32
        %ge3A_202 = arith.cmpi sge, %add3A_187, %ge3A_201 : i32
        %convert_element_type3A_203 = arith.extui %ge3A_202 : i1 to i32
        %cond3A_204 = arith.constant 0 : i32
        %cond3A_205 = arith.cmpi ne, %convert_element_type3A_203, %cond3A_204 : i32
        scf.if %cond3A_205 {
          %add3A_229 = arith.constant 2 : i32
          %add3A_230 = arith.addi %add3A_137, %add3A_229 : i32
          %mul3A_231 = arith.constant 128 : i32
          %mul3A_232 = arith.muli %add3A_230, %mul3A_231 : i32
          %dma_wait3A_233 = tpu.memref_slice %arg6[%mul3A_232] : memref<1024xi32, #tpu.memory_space<vmem>> -> memref<128xi32, #tpu.memory_space<vmem>>
          %dma_wait3A_234 = arith.constant 0 : i32
          %dma_wait3A_235 = arith.constant 0 : i32
          %dma_wait3A_236 = tpu.memref_slice %arg2[%dma_wait3A_234, %dma_wait3A_235] : memref<100000x128xf32, #tpu.memory_space<hbm>> -> memref<100000x128xf32, #tpu.memory_space<hbm>>
          tpu.wait_indirect_dma semaphore(%arg17 : memref<!tpu.dma_semaphore, #tpu.memory_space<semaphore_mem>>) src(%dma_wait3A_236 : memref<100000x128xf32, #tpu.memory_space<hbm>>) dst(%arg9 : memref<128x128xf32, #tpu.memory_space<vmem>>)
          %sub3A = arith.constant 2 : i32
          %sub3A_237 = arith.subi %add3A_187, %sub3A : i32
          %mul3A_238 = arith.constant 128 : i32
          %mul3A_239 = arith.muli %sub3A_237, %mul3A_238 : i32
          %add3A_240 = arith.addi %mul3A_2, %mul3A_239 : i32
          %dma_start3A_241 = arith.constant 0 : i32
          %dma_start3A_242 = tpu.memref_slice %arg4[%add3A_240, %dma_start3A_241] : memref<3276800x128xf32, #tpu.memory_space<hbm>> -> memref<128x128xf32, #tpu.memory_space<hbm>>
          %dma_start3A_243 = arith.constant 0 : i32
          %dma_start3A_244 = tpu.memref_slice %arg4[%add3A_240, %dma_start3A_243] : memref<3276800x128xf32, #tpu.memory_space<hbm>> -> memref<128x128xf32, #tpu.memory_space<hbm>>
          tpu.enqueue_dma source(%arg9 : memref<128x128xf32, #tpu.memory_space<vmem>>) target(%dma_start3A_244 : memref<128x128xf32, #tpu.memory_space<hbm>>) target_semaphore(%arg21 : memref<!tpu.dma_semaphore, #tpu.memory_space<semaphore_mem>>)
        } else {
        }
        %mul3A_206 = arith.constant 8 : i32
        %mul3A_207 = arith.muli %add3A_77, %mul3A_206 : i32
        %add3A_208 = arith.addi %mul3A_207, %add3A_137 : i32
        %add3A_209 = arith.constant 3 : i32
        %add3A_210 = arith.addi %add3A_208, %add3A_209 : i32
        %ge3A_211 = arith.constant 4 : i32
        %ge3A_212 = arith.cmpi sge, %add3A_210, %ge3A_211 : i32
        %convert_element_type3A_213 = arith.extui %ge3A_212 : i1 to i32
        %cond3A_214 = arith.constant 0 : i32
        %cond3A_215 = arith.cmpi ne, %convert_element_type3A_213, %cond3A_214 : i32
        scf.if %cond3A_215 {
          %sub3A = arith.constant 4 : i32
          %sub3A_229 = arith.subi %add3A_210, %sub3A : i32
          %mul3A_230 = arith.constant 128 : i32
          %mul3A_231 = arith.muli %sub3A_229, %mul3A_230 : i32
          %add3A_232 = arith.addi %mul3A_2, %mul3A_231 : i32
          %dma_wait3A_233 = arith.constant 0 : i32
          %dma_wait3A_234 = tpu.memref_slice %arg4[%add3A_232, %dma_wait3A_233] : memref<3276800x128xf32, #tpu.memory_space<hbm>> -> memref<128x128xf32, #tpu.memory_space<hbm>>
          %dma_wait3A_235 = arith.constant 0 : i32
          %dma_wait3A_236 = tpu.memref_slice %arg4[%add3A_232, %dma_wait3A_235] : memref<3276800x128xf32, #tpu.memory_space<hbm>> -> memref<128x128xf32, #tpu.memory_space<hbm>>
          tpu.wait_dma2 semaphore(%arg24 : memref<!tpu.dma_semaphore, #tpu.memory_space<semaphore_mem>>) src(%arg12 : memref<128x128xf32, #tpu.memory_space<vmem>>) dst(%dma_wait3A_236 : memref<128x128xf32, #tpu.memory_space<hbm>>)
        } else {
        }
        %add3A_216 = arith.constant 3 : i32
        %add3A_217 = arith.addi %add3A_137, %add3A_216 : i32
        %mul3A_218 = arith.constant 128 : i32
        %mul3A_219 = arith.muli %add3A_217, %mul3A_218 : i32
        %dma_start3A_220 = tpu.memref_slice %arg6[%mul3A_219] : memref<1024xi32, #tpu.memory_space<vmem>> -> memref<128xi32, #tpu.memory_space<vmem>>
        %dma_start3A_221 = arith.constant 0 : i32
        %dma_start3A_222 = arith.constant 0 : i32
        %dma_start3A_223 = tpu.memref_slice %arg2[%dma_start3A_221, %dma_start3A_222] : memref<100000x128xf32, #tpu.memory_space<hbm>> -> memref<100000x128xf32, #tpu.memory_space<hbm>>
        tpu.enqueue_indirect_dma source(%dma_start3A_223 : memref<100000x128xf32, #tpu.memory_space<hbm>>) target(%arg12 : memref<128x128xf32, #tpu.memory_space<vmem>>) offsets(%dma_start3A_220 : memref<128xi32, #tpu.memory_space<vmem>>) semaphore(%arg20 : memref<!tpu.dma_semaphore, #tpu.memory_space<semaphore_mem>>)
        %ge3A_224 = arith.constant 2 : i32
        %ge3A_225 = arith.cmpi sge, %add3A_210, %ge3A_224 : i32
        %convert_element_type3A_226 = arith.extui %ge3A_225 : i1 to i32
        %cond3A_227 = arith.constant 0 : i32
        %cond3A_228 = arith.cmpi ne, %convert_element_type3A_226, %cond3A_227 : i32
        scf.if %cond3A_228 {
          %add3A_229 = arith.constant 3 : i32
          %add3A_230 = arith.addi %add3A_137, %add3A_229 : i32
          %mul3A_231 = arith.constant 128 : i32
          %mul3A_232 = arith.muli %add3A_230, %mul3A_231 : i32
          %dma_wait3A_233 = tpu.memref_slice %arg6[%mul3A_232] : memref<1024xi32, #tpu.memory_space<vmem>> -> memref<128xi32, #tpu.memory_space<vmem>>
          %dma_wait3A_234 = arith.constant 0 : i32
          %dma_wait3A_235 = arith.constant 0 : i32
          %dma_wait3A_236 = tpu.memref_slice %arg2[%dma_wait3A_234, %dma_wait3A_235] : memref<100000x128xf32, #tpu.memory_space<hbm>> -> memref<100000x128xf32, #tpu.memory_space<hbm>>
          tpu.wait_indirect_dma semaphore(%arg18 : memref<!tpu.dma_semaphore, #tpu.memory_space<semaphore_mem>>) src(%dma_wait3A_236 : memref<100000x128xf32, #tpu.memory_space<hbm>>) dst(%arg10 : memref<128x128xf32, #tpu.memory_space<vmem>>)
          %sub3A = arith.constant 2 : i32
          %sub3A_237 = arith.subi %add3A_210, %sub3A : i32
          %mul3A_238 = arith.constant 128 : i32
          %mul3A_239 = arith.muli %sub3A_237, %mul3A_238 : i32
          %add3A_240 = arith.addi %mul3A_2, %mul3A_239 : i32
          %dma_start3A_241 = arith.constant 0 : i32
          %dma_start3A_242 = tpu.memref_slice %arg4[%add3A_240, %dma_start3A_241] : memref<3276800x128xf32, #tpu.memory_space<hbm>> -> memref<128x128xf32, #tpu.memory_space<hbm>>
          %dma_start3A_243 = arith.constant 0 : i32
          %dma_start3A_244 = tpu.memref_slice %arg4[%add3A_240, %dma_start3A_243] : memref<3276800x128xf32, #tpu.memory_space<hbm>> -> memref<128x128xf32, #tpu.memory_space<hbm>>
          tpu.enqueue_dma source(%arg10 : memref<128x128xf32, #tpu.memory_space<vmem>>) target(%dma_start3A_244 : memref<128x128xf32, #tpu.memory_space<hbm>>) target_semaphore(%arg22 : memref<!tpu.dma_semaphore, #tpu.memory_space<semaphore_mem>>)
        } else {
        }
      }
      %scan3A_94 = arith.constant 2 : i32
      %add3A_95 = arith.constant 2 : i32
      %add3A_96 = arith.addi %add3A_59, %add3A_95 : i32
      %mul3A_97 = arith.constant 1024 : i32
      %mul3A_98 = arith.muli %add3A_96, %mul3A_97 : i32
      %add3A_99 = arith.addi %mul3A_2, %mul3A_98 : i32
      %dma_wait3A_100 = tpu.memref_slice %arg3[%add3A_99] : memref<3276800xi32, #tpu.memory_space<hbm>> -> memref<1024xi32, #tpu.memory_space<hbm>>
      %dma_wait3A_101 = tpu.memref_slice %arg3[%add3A_99] : memref<3276800xi32, #tpu.memory_space<hbm>> -> memref<1024xi32, #tpu.memory_space<hbm>>
      tpu.wait_dma2 semaphore(%arg15 : memref<!tpu.dma_semaphore, #tpu.memory_space<semaphore_mem>>) src(%dma_wait3A_101 : memref<1024xi32, #tpu.memory_space<hbm>>) dst(%arg7 : memref<1024xi32, #tpu.memory_space<vmem>>)
      %add3A_102 = arith.constant 1 : i32
      %add3A_103 = arith.addi %add3A_96, %add3A_102 : i32
      %lt3A_104 = arith.constant 100 : i32
      %lt3A_105 = arith.cmpi slt, %add3A_103, %lt3A_104 : i32
      %convert_element_type3A_106 = arith.extui %lt3A_105 : i1 to i32
      %cond3A_107 = arith.constant 0 : i32
      %cond3A_108 = arith.cmpi ne, %convert_element_type3A_106, %cond3A_107 : i32
      scf.if %cond3A_108 {
        %add3A_133 = arith.constant 1 : i32
        %add3A_134 = arith.addi %add3A_96, %add3A_133 : i32
        %mul3A_135 = arith.constant 1024 : i32
        %mul3A_136 = arith.muli %add3A_134, %mul3A_135 : i32
        %add3A_137 = arith.addi %mul3A_2, %mul3A_136 : i32
        %dma_start3A_138 = tpu.memref_slice %arg3[%add3A_137] : memref<3276800xi32, #tpu.memory_space<hbm>> -> memref<1024xi32, #tpu.memory_space<hbm>>
        %dma_start3A_139 = tpu.memref_slice %arg3[%add3A_137] : memref<3276800xi32, #tpu.memory_space<hbm>> -> memref<1024xi32, #tpu.memory_space<hbm>>
        tpu.enqueue_dma source(%dma_start3A_139 : memref<1024xi32, #tpu.memory_space<hbm>>) target(%arg8 : memref<1024xi32, #tpu.memory_space<vmem>>) target_semaphore(%arg16 : memref<!tpu.dma_semaphore, #tpu.memory_space<semaphore_mem>>)
      } else {
      }
      %scan3A_109 = arith.constant 0 : i32
      %scan3A_110 = arith.constant 2 : i32
      %scan3A_111 = arith.addi %scan3A_109, %scan3A_110 : i32
      %scan3A_112 = arith.constant 1 : i32
      scf.for %scan3A_133 = %scan3A_109 to %scan3A_111 step %scan3A_112  : i32 {
        %mul3A_134 = arith.constant 4 : i32
        %mul3A_135 = arith.muli %scan3A_133, %mul3A_134 : i32
        %add3A_136 = arith.constant 0 : i32
        %add3A_137 = arith.addi %add3A_136, %mul3A_135 : i32
        %mul3A_138 = arith.constant 8 : i32
        %mul3A_139 = arith.muli %add3A_96, %mul3A_138 : i32
        %add3A_140 = arith.addi %mul3A_139, %add3A_137 : i32
        %add3A_141 = arith.constant 0 : i32
        %add3A_142 = arith.addi %add3A_140, %add3A_141 : i32
        %ge3A = arith.constant 4 : i32
        %ge3A_143 = arith.cmpi sge, %add3A_142, %ge3A : i32
        %convert_element_type3A_144 = arith.extui %ge3A_143 : i1 to i32
        %cond3A_145 = arith.constant 0 : i32
        %cond3A_146 = arith.cmpi ne, %convert_element_type3A_144, %cond3A_145 : i32
        scf.if %cond3A_146 {
          %sub3A = arith.constant 4 : i32
          %sub3A_229 = arith.subi %add3A_142, %sub3A : i32
          %mul3A_230 = arith.constant 128 : i32
          %mul3A_231 = arith.muli %sub3A_229, %mul3A_230 : i32
          %add3A_232 = arith.addi %mul3A_2, %mul3A_231 : i32
          %dma_wait3A_233 = arith.constant 0 : i32
          %dma_wait3A_234 = tpu.memref_slice %arg4[%add3A_232, %dma_wait3A_233] : memref<3276800x128xf32, #tpu.memory_space<hbm>> -> memref<128x128xf32, #tpu.memory_space<hbm>>
          %dma_wait3A_235 = arith.constant 0 : i32
          %dma_wait3A_236 = tpu.memref_slice %arg4[%add3A_232, %dma_wait3A_235] : memref<3276800x128xf32, #tpu.memory_space<hbm>> -> memref<128x128xf32, #tpu.memory_space<hbm>>
          tpu.wait_dma2 semaphore(%arg21 : memref<!tpu.dma_semaphore, #tpu.memory_space<semaphore_mem>>) src(%arg9 : memref<128x128xf32, #tpu.memory_space<vmem>>) dst(%dma_wait3A_236 : memref<128x128xf32, #tpu.memory_space<hbm>>)
        } else {
        }
        %add3A_147 = arith.constant 0 : i32
        %add3A_148 = arith.addi %add3A_137, %add3A_147 : i32
        %mul3A_149 = arith.constant 128 : i32
        %mul3A_150 = arith.muli %add3A_148, %mul3A_149 : i32
        %dma_start3A_151 = tpu.memref_slice %arg7[%mul3A_150] : memref<1024xi32, #tpu.memory_space<vmem>> -> memref<128xi32, #tpu.memory_space<vmem>>
        %dma_start3A_152 = arith.constant 0 : i32
        %dma_start3A_153 = arith.constant 0 : i32
        %dma_start3A_154 = tpu.memref_slice %arg2[%dma_start3A_152, %dma_start3A_153] : memref<100000x128xf32, #tpu.memory_space<hbm>> -> memref<100000x128xf32, #tpu.memory_space<hbm>>
        tpu.enqueue_indirect_dma source(%dma_start3A_154 : memref<100000x128xf32, #tpu.memory_space<hbm>>) target(%arg9 : memref<128x128xf32, #tpu.memory_space<vmem>>) offsets(%dma_start3A_151 : memref<128xi32, #tpu.memory_space<vmem>>) semaphore(%arg17 : memref<!tpu.dma_semaphore, #tpu.memory_space<semaphore_mem>>)
        %ge3A_155 = arith.constant 2 : i32
        %ge3A_156 = arith.cmpi sge, %add3A_142, %ge3A_155 : i32
        %convert_element_type3A_157 = arith.extui %ge3A_156 : i1 to i32
        %cond3A_158 = arith.constant 0 : i32
        %cond3A_159 = arith.cmpi ne, %convert_element_type3A_157, %cond3A_158 : i32
        scf.if %cond3A_159 {
          %add3A_229 = arith.constant 0 : i32
          %add3A_230 = arith.addi %add3A_137, %add3A_229 : i32
          %mul3A_231 = arith.constant 128 : i32
          %mul3A_232 = arith.muli %add3A_230, %mul3A_231 : i32
          %dma_wait3A_233 = tpu.memref_slice %arg7[%mul3A_232] : memref<1024xi32, #tpu.memory_space<vmem>> -> memref<128xi32, #tpu.memory_space<vmem>>
          %dma_wait3A_234 = arith.constant 0 : i32
          %dma_wait3A_235 = arith.constant 0 : i32
          %dma_wait3A_236 = tpu.memref_slice %arg2[%dma_wait3A_234, %dma_wait3A_235] : memref<100000x128xf32, #tpu.memory_space<hbm>> -> memref<100000x128xf32, #tpu.memory_space<hbm>>
          tpu.wait_indirect_dma semaphore(%arg19 : memref<!tpu.dma_semaphore, #tpu.memory_space<semaphore_mem>>) src(%dma_wait3A_236 : memref<100000x128xf32, #tpu.memory_space<hbm>>) dst(%arg11 : memref<128x128xf32, #tpu.memory_space<vmem>>)
          %sub3A = arith.constant 2 : i32
          %sub3A_237 = arith.subi %add3A_142, %sub3A : i32
          %mul3A_238 = arith.constant 128 : i32
          %mul3A_239 = arith.muli %sub3A_237, %mul3A_238 : i32
          %add3A_240 = arith.addi %mul3A_2, %mul3A_239 : i32
          %dma_start3A_241 = arith.constant 0 : i32
          %dma_start3A_242 = tpu.memref_slice %arg4[%add3A_240, %dma_start3A_241] : memref<3276800x128xf32, #tpu.memory_space<hbm>> -> memref<128x128xf32, #tpu.memory_space<hbm>>
          %dma_start3A_243 = arith.constant 0 : i32
          %dma_start3A_244 = tpu.memref_slice %arg4[%add3A_240, %dma_start3A_243] : memref<3276800x128xf32, #tpu.memory_space<hbm>> -> memref<128x128xf32, #tpu.memory_space<hbm>>
          tpu.enqueue_dma source(%arg11 : memref<128x128xf32, #tpu.memory_space<vmem>>) target(%dma_start3A_244 : memref<128x128xf32, #tpu.memory_space<hbm>>) target_semaphore(%arg23 : memref<!tpu.dma_semaphore, #tpu.memory_space<semaphore_mem>>)
        } else {
        }
        %mul3A_160 = arith.constant 8 : i32
        %mul3A_161 = arith.muli %add3A_96, %mul3A_160 : i32
        %add3A_162 = arith.addi %mul3A_161, %add3A_137 : i32
        %add3A_163 = arith.constant 1 : i32
        %add3A_164 = arith.addi %add3A_162, %add3A_163 : i32
        %ge3A_165 = arith.constant 4 : i32
        %ge3A_166 = arith.cmpi sge, %add3A_164, %ge3A_165 : i32
        %convert_element_type3A_167 = arith.extui %ge3A_166 : i1 to i32
        %cond3A_168 = arith.constant 0 : i32
        %cond3A_169 = arith.cmpi ne, %convert_element_type3A_167, %cond3A_168 : i32
        scf.if %cond3A_169 {
          %sub3A = arith.constant 4 : i32
          %sub3A_229 = arith.subi %add3A_164, %sub3A : i32
          %mul3A_230 = arith.constant 128 : i32
          %mul3A_231 = arith.muli %sub3A_229, %mul3A_230 : i32
          %add3A_232 = arith.addi %mul3A_2, %mul3A_231 : i32
          %dma_wait3A_233 = arith.constant 0 : i32
          %dma_wait3A_234 = tpu.memref_slice %arg4[%add3A_232, %dma_wait3A_233] : memref<3276800x128xf32, #tpu.memory_space<hbm>> -> memref<128x128xf32, #tpu.memory_space<hbm>>
          %dma_wait3A_235 = arith.constant 0 : i32
          %dma_wait3A_236 = tpu.memref_slice %arg4[%add3A_232, %dma_wait3A_235] : memref<3276800x128xf32, #tpu.memory_space<hbm>> -> memref<128x128xf32, #tpu.memory_space<hbm>>
          tpu.wait_dma2 semaphore(%arg22 : memref<!tpu.dma_semaphore, #tpu.memory_space<semaphore_mem>>) src(%arg10 : memref<128x128xf32, #tpu.memory_space<vmem>>) dst(%dma_wait3A_236 : memref<128x128xf32, #tpu.memory_space<hbm>>)
        } else {
        }
        %add3A_170 = arith.constant 1 : i32
        %add3A_171 = arith.addi %add3A_137, %add3A_170 : i32
        %mul3A_172 = arith.constant 128 : i32
        %mul3A_173 = arith.muli %add3A_171, %mul3A_172 : i32
        %dma_start3A_174 = tpu.memref_slice %arg7[%mul3A_173] : memref<1024xi32, #tpu.memory_space<vmem>> -> memref<128xi32, #tpu.memory_space<vmem>>
        %dma_start3A_175 = arith.constant 0 : i32
        %dma_start3A_176 = arith.constant 0 : i32
        %dma_start3A_177 = tpu.memref_slice %arg2[%dma_start3A_175, %dma_start3A_176] : memref<100000x128xf32, #tpu.memory_space<hbm>> -> memref<100000x128xf32, #tpu.memory_space<hbm>>
        tpu.enqueue_indirect_dma source(%dma_start3A_177 : memref<100000x128xf32, #tpu.memory_space<hbm>>) target(%arg10 : memref<128x128xf32, #tpu.memory_space<vmem>>) offsets(%dma_start3A_174 : memref<128xi32, #tpu.memory_space<vmem>>) semaphore(%arg18 : memref<!tpu.dma_semaphore, #tpu.memory_space<semaphore_mem>>)
        %ge3A_178 = arith.constant 2 : i32
        %ge3A_179 = arith.cmpi sge, %add3A_164, %ge3A_178 : i32
        %convert_element_type3A_180 = arith.extui %ge3A_179 : i1 to i32
        %cond3A_181 = arith.constant 0 : i32
        %cond3A_182 = arith.cmpi ne, %convert_element_type3A_180, %cond3A_181 : i32
        scf.if %cond3A_182 {
          %add3A_229 = arith.constant 1 : i32
          %add3A_230 = arith.addi %add3A_137, %add3A_229 : i32
          %mul3A_231 = arith.constant 128 : i32
          %mul3A_232 = arith.muli %add3A_230, %mul3A_231 : i32
          %dma_wait3A_233 = tpu.memref_slice %arg7[%mul3A_232] : memref<1024xi32, #tpu.memory_space<vmem>> -> memref<128xi32, #tpu.memory_space<vmem>>
          %dma_wait3A_234 = arith.constant 0 : i32
          %dma_wait3A_235 = arith.constant 0 : i32
          %dma_wait3A_236 = tpu.memref_slice %arg2[%dma_wait3A_234, %dma_wait3A_235] : memref<100000x128xf32, #tpu.memory_space<hbm>> -> memref<100000x128xf32, #tpu.memory_space<hbm>>
          tpu.wait_indirect_dma semaphore(%arg20 : memref<!tpu.dma_semaphore, #tpu.memory_space<semaphore_mem>>) src(%dma_wait3A_236 : memref<100000x128xf32, #tpu.memory_space<hbm>>) dst(%arg12 : memref<128x128xf32, #tpu.memory_space<vmem>>)
          %sub3A = arith.constant 2 : i32
          %sub3A_237 = arith.subi %add3A_164, %sub3A : i32
          %mul3A_238 = arith.constant 128 : i32
          %mul3A_239 = arith.muli %sub3A_237, %mul3A_238 : i32
          %add3A_240 = arith.addi %mul3A_2, %mul3A_239 : i32
          %dma_start3A_241 = arith.constant 0 : i32
          %dma_start3A_242 = tpu.memref_slice %arg4[%add3A_240, %dma_start3A_241] : memref<3276800x128xf32, #tpu.memory_space<hbm>> -> memref<128x128xf32, #tpu.memory_space<hbm>>
          %dma_start3A_243 = arith.constant 0 : i32
          %dma_start3A_244 = tpu.memref_slice %arg4[%add3A_240, %dma_start3A_243] : memref<3276800x128xf32, #tpu.memory_space<hbm>> -> memref<128x128xf32, #tpu.memory_space<hbm>>
          tpu.enqueue_dma source(%arg12 : memref<128x128xf32, #tpu.memory_space<vmem>>) target(%dma_start3A_244 : memref<128x128xf32, #tpu.memory_space<hbm>>) target_semaphore(%arg24 : memref<!tpu.dma_semaphore, #tpu.memory_space<semaphore_mem>>)
        } else {
        }
        %mul3A_183 = arith.constant 8 : i32
        %mul3A_184 = arith.muli %add3A_96, %mul3A_183 : i32
        %add3A_185 = arith.addi %mul3A_184, %add3A_137 : i32
        %add3A_186 = arith.constant 2 : i32
        %add3A_187 = arith.addi %add3A_185, %add3A_186 : i32
        %ge3A_188 = arith.constant 4 : i32
        %ge3A_189 = arith.cmpi sge, %add3A_187, %ge3A_188 : i32
        %convert_element_type3A_190 = arith.extui %ge3A_189 : i1 to i32
        %cond3A_191 = arith.constant 0 : i32
        %cond3A_192 = arith.cmpi ne, %convert_element_type3A_190, %cond3A_191 : i32
        scf.if %cond3A_192 {
          %sub3A = arith.constant 4 : i32
          %sub3A_229 = arith.subi %add3A_187, %sub3A : i32
          %mul3A_230 = arith.constant 128 : i32
          %mul3A_231 = arith.muli %sub3A_229, %mul3A_230 : i32
          %add3A_232 = arith.addi %mul3A_2, %mul3A_231 : i32
          %dma_wait3A_233 = arith.constant 0 : i32
          %dma_wait3A_234 = tpu.memref_slice %arg4[%add3A_232, %dma_wait3A_233] : memref<3276800x128xf32, #tpu.memory_space<hbm>> -> memref<128x128xf32, #tpu.memory_space<hbm>>
          %dma_wait3A_235 = arith.constant 0 : i32
          %dma_wait3A_236 = tpu.memref_slice %arg4[%add3A_232, %dma_wait3A_235] : memref<3276800x128xf32, #tpu.memory_space<hbm>> -> memref<128x128xf32, #tpu.memory_space<hbm>>
          tpu.wait_dma2 semaphore(%arg23 : memref<!tpu.dma_semaphore, #tpu.memory_space<semaphore_mem>>) src(%arg11 : memref<128x128xf32, #tpu.memory_space<vmem>>) dst(%dma_wait3A_236 : memref<128x128xf32, #tpu.memory_space<hbm>>)
        } else {
        }
        %add3A_193 = arith.constant 2 : i32
        %add3A_194 = arith.addi %add3A_137, %add3A_193 : i32
        %mul3A_195 = arith.constant 128 : i32
        %mul3A_196 = arith.muli %add3A_194, %mul3A_195 : i32
        %dma_start3A_197 = tpu.memref_slice %arg7[%mul3A_196] : memref<1024xi32, #tpu.memory_space<vmem>> -> memref<128xi32, #tpu.memory_space<vmem>>
        %dma_start3A_198 = arith.constant 0 : i32
        %dma_start3A_199 = arith.constant 0 : i32
        %dma_start3A_200 = tpu.memref_slice %arg2[%dma_start3A_198, %dma_start3A_199] : memref<100000x128xf32, #tpu.memory_space<hbm>> -> memref<100000x128xf32, #tpu.memory_space<hbm>>
        tpu.enqueue_indirect_dma source(%dma_start3A_200 : memref<100000x128xf32, #tpu.memory_space<hbm>>) target(%arg11 : memref<128x128xf32, #tpu.memory_space<vmem>>) offsets(%dma_start3A_197 : memref<128xi32, #tpu.memory_space<vmem>>) semaphore(%arg19 : memref<!tpu.dma_semaphore, #tpu.memory_space<semaphore_mem>>)
        %ge3A_201 = arith.constant 2 : i32
        %ge3A_202 = arith.cmpi sge, %add3A_187, %ge3A_201 : i32
        %convert_element_type3A_203 = arith.extui %ge3A_202 : i1 to i32
        %cond3A_204 = arith.constant 0 : i32
        %cond3A_205 = arith.cmpi ne, %convert_element_type3A_203, %cond3A_204 : i32
        scf.if %cond3A_205 {
          %add3A_229 = arith.constant 2 : i32
          %add3A_230 = arith.addi %add3A_137, %add3A_229 : i32
          %mul3A_231 = arith.constant 128 : i32
          %mul3A_232 = arith.muli %add3A_230, %mul3A_231 : i32
          %dma_wait3A_233 = tpu.memref_slice %arg7[%mul3A_232] : memref<1024xi32, #tpu.memory_space<vmem>> -> memref<128xi32, #tpu.memory_space<vmem>>
          %dma_wait3A_234 = arith.constant 0 : i32
          %dma_wait3A_235 = arith.constant 0 : i32
          %dma_wait3A_236 = tpu.memref_slice %arg2[%dma_wait3A_234, %dma_wait3A_235] : memref<100000x128xf32, #tpu.memory_space<hbm>> -> memref<100000x128xf32, #tpu.memory_space<hbm>>
          tpu.wait_indirect_dma semaphore(%arg17 : memref<!tpu.dma_semaphore, #tpu.memory_space<semaphore_mem>>) src(%dma_wait3A_236 : memref<100000x128xf32, #tpu.memory_space<hbm>>) dst(%arg9 : memref<128x128xf32, #tpu.memory_space<vmem>>)
          %sub3A = arith.constant 2 : i32
          %sub3A_237 = arith.subi %add3A_187, %sub3A : i32
          %mul3A_238 = arith.constant 128 : i32
          %mul3A_239 = arith.muli %sub3A_237, %mul3A_238 : i32
          %add3A_240 = arith.addi %mul3A_2, %mul3A_239 : i32
          %dma_start3A_241 = arith.constant 0 : i32
          %dma_start3A_242 = tpu.memref_slice %arg4[%add3A_240, %dma_start3A_241] : memref<3276800x128xf32, #tpu.memory_space<hbm>> -> memref<128x128xf32, #tpu.memory_space<hbm>>
          %dma_start3A_243 = arith.constant 0 : i32
          %dma_start3A_244 = tpu.memref_slice %arg4[%add3A_240, %dma_start3A_243] : memref<3276800x128xf32, #tpu.memory_space<hbm>> -> memref<128x128xf32, #tpu.memory_space<hbm>>
          tpu.enqueue_dma source(%arg9 : memref<128x128xf32, #tpu.memory_space<vmem>>) target(%dma_start3A_244 : memref<128x128xf32, #tpu.memory_space<hbm>>) target_semaphore(%arg21 : memref<!tpu.dma_semaphore, #tpu.memory_space<semaphore_mem>>)
        } else {
        }
        %mul3A_206 = arith.constant 8 : i32
        %mul3A_207 = arith.muli %add3A_96, %mul3A_206 : i32
        %add3A_208 = arith.addi %mul3A_207, %add3A_137 : i32
        %add3A_209 = arith.constant 3 : i32
        %add3A_210 = arith.addi %add3A_208, %add3A_209 : i32
        %ge3A_211 = arith.constant 4 : i32
        %ge3A_212 = arith.cmpi sge, %add3A_210, %ge3A_211 : i32
        %convert_element_type3A_213 = arith.extui %ge3A_212 : i1 to i32
        %cond3A_214 = arith.constant 0 : i32
        %cond3A_215 = arith.cmpi ne, %convert_element_type3A_213, %cond3A_214 : i32
        scf.if %cond3A_215 {
          %sub3A = arith.constant 4 : i32
          %sub3A_229 = arith.subi %add3A_210, %sub3A : i32
          %mul3A_230 = arith.constant 128 : i32
          %mul3A_231 = arith.muli %sub3A_229, %mul3A_230 : i32
          %add3A_232 = arith.addi %mul3A_2, %mul3A_231 : i32
          %dma_wait3A_233 = arith.constant 0 : i32
          %dma_wait3A_234 = tpu.memref_slice %arg4[%add3A_232, %dma_wait3A_233] : memref<3276800x128xf32, #tpu.memory_space<hbm>> -> memref<128x128xf32, #tpu.memory_space<hbm>>
          %dma_wait3A_235 = arith.constant 0 : i32
          %dma_wait3A_236 = tpu.memref_slice %arg4[%add3A_232, %dma_wait3A_235] : memref<3276800x128xf32, #tpu.memory_space<hbm>> -> memref<128x128xf32, #tpu.memory_space<hbm>>
          tpu.wait_dma2 semaphore(%arg24 : memref<!tpu.dma_semaphore, #tpu.memory_space<semaphore_mem>>) src(%arg12 : memref<128x128xf32, #tpu.memory_space<vmem>>) dst(%dma_wait3A_236 : memref<128x128xf32, #tpu.memory_space<hbm>>)
        } else {
        }
        %add3A_216 = arith.constant 3 : i32
        %add3A_217 = arith.addi %add3A_137, %add3A_216 : i32
        %mul3A_218 = arith.constant 128 : i32
        %mul3A_219 = arith.muli %add3A_217, %mul3A_218 : i32
        %dma_start3A_220 = tpu.memref_slice %arg7[%mul3A_219] : memref<1024xi32, #tpu.memory_space<vmem>> -> memref<128xi32, #tpu.memory_space<vmem>>
        %dma_start3A_221 = arith.constant 0 : i32
        %dma_start3A_222 = arith.constant 0 : i32
        %dma_start3A_223 = tpu.memref_slice %arg2[%dma_start3A_221, %dma_start3A_222] : memref<100000x128xf32, #tpu.memory_space<hbm>> -> memref<100000x128xf32, #tpu.memory_space<hbm>>
        tpu.enqueue_indirect_dma source(%dma_start3A_223 : memref<100000x128xf32, #tpu.memory_space<hbm>>) target(%arg12 : memref<128x128xf32, #tpu.memory_space<vmem>>) offsets(%dma_start3A_220 : memref<128xi32, #tpu.memory_space<vmem>>) semaphore(%arg20 : memref<!tpu.dma_semaphore, #tpu.memory_space<semaphore_mem>>)
        %ge3A_224 = arith.constant 2 : i32
        %ge3A_225 = arith.cmpi sge, %add3A_210, %ge3A_224 : i32
        %convert_element_type3A_226 = arith.extui %ge3A_225 : i1 to i32
        %cond3A_227 = arith.constant 0 : i32
        %cond3A_228 = arith.cmpi ne, %convert_element_type3A_226, %cond3A_227 : i32
        scf.if %cond3A_228 {
          %add3A_229 = arith.constant 3 : i32
          %add3A_230 = arith.addi %add3A_137, %add3A_229 : i32
          %mul3A_231 = arith.constant 128 : i32
          %mul3A_232 = arith.muli %add3A_230, %mul3A_231 : i32
          %dma_wait3A_233 = tpu.memref_slice %arg7[%mul3A_232] : memref<1024xi32, #tpu.memory_space<vmem>> -> memref<128xi32, #tpu.memory_space<vmem>>
          %dma_wait3A_234 = arith.constant 0 : i32
          %dma_wait3A_235 = arith.constant 0 : i32
          %dma_wait3A_236 = tpu.memref_slice %arg2[%dma_wait3A_234, %dma_wait3A_235] : memref<100000x128xf32, #tpu.memory_space<hbm>> -> memref<100000x128xf32, #tpu.memory_space<hbm>>
          tpu.wait_indirect_dma semaphore(%arg18 : memref<!tpu.dma_semaphore, #tpu.memory_space<semaphore_mem>>) src(%dma_wait3A_236 : memref<100000x128xf32, #tpu.memory_space<hbm>>) dst(%arg10 : memref<128x128xf32, #tpu.memory_space<vmem>>)
          %sub3A = arith.constant 2 : i32
          %sub3A_237 = arith.subi %add3A_210, %sub3A : i32
          %mul3A_238 = arith.constant 128 : i32
          %mul3A_239 = arith.muli %sub3A_237, %mul3A_238 : i32
          %add3A_240 = arith.addi %mul3A_2, %mul3A_239 : i32
          %dma_start3A_241 = arith.constant 0 : i32
          %dma_start3A_242 = tpu.memref_slice %arg4[%add3A_240, %dma_start3A_241] : memref<3276800x128xf32, #tpu.memory_space<hbm>> -> memref<128x128xf32, #tpu.memory_space<hbm>>
          %dma_start3A_243 = arith.constant 0 : i32
          %dma_start3A_244 = tpu.memref_slice %arg4[%add3A_240, %dma_start3A_243] : memref<3276800x128xf32, #tpu.memory_space<hbm>> -> memref<128x128xf32, #tpu.memory_space<hbm>>
          tpu.enqueue_dma source(%arg10 : memref<128x128xf32, #tpu.memory_space<vmem>>) target(%dma_start3A_244 : memref<128x128xf32, #tpu.memory_space<hbm>>) target_semaphore(%arg22 : memref<!tpu.dma_semaphore, #tpu.memory_space<semaphore_mem>>)
        } else {
        }
      }
      %scan3A_113 = arith.constant 2 : i32
      %add3A_114 = arith.constant 3 : i32
      %add3A_115 = arith.addi %add3A_59, %add3A_114 : i32
      %mul3A_116 = arith.constant 1024 : i32
      %mul3A_117 = arith.muli %add3A_115, %mul3A_116 : i32
      %add3A_118 = arith.addi %mul3A_2, %mul3A_117 : i32
      %dma_wait3A_119 = tpu.memref_slice %arg3[%add3A_118] : memref<3276800xi32, #tpu.memory_space<hbm>> -> memref<1024xi32, #tpu.memory_space<hbm>>
      %dma_wait3A_120 = tpu.memref_slice %arg3[%add3A_118] : memref<3276800xi32, #tpu.memory_space<hbm>> -> memref<1024xi32, #tpu.memory_space<hbm>>
      tpu.wait_dma2 semaphore(%arg16 : memref<!tpu.dma_semaphore, #tpu.memory_space<semaphore_mem>>) src(%dma_wait3A_120 : memref<1024xi32, #tpu.memory_space<hbm>>) dst(%arg8 : memref<1024xi32, #tpu.memory_space<vmem>>)
      %add3A_121 = arith.constant 1 : i32
      %add3A_122 = arith.addi %add3A_115, %add3A_121 : i32
      %lt3A_123 = arith.constant 100 : i32
      %lt3A_124 = arith.cmpi slt, %add3A_122, %lt3A_123 : i32
      %convert_element_type3A_125 = arith.extui %lt3A_124 : i1 to i32
      %cond3A_126 = arith.constant 0 : i32
      %cond3A_127 = arith.cmpi ne, %convert_element_type3A_125, %cond3A_126 : i32
      scf.if %cond3A_127 {
        %add3A_133 = arith.constant 1 : i32
        %add3A_134 = arith.addi %add3A_115, %add3A_133 : i32
        %mul3A_135 = arith.constant 1024 : i32
        %mul3A_136 = arith.muli %add3A_134, %mul3A_135 : i32
        %add3A_137 = arith.addi %mul3A_2, %mul3A_136 : i32
        %dma_start3A_138 = tpu.memref_slice %arg3[%add3A_137] : memref<3276800xi32, #tpu.memory_space<hbm>> -> memref<1024xi32, #tpu.memory_space<hbm>>
        %dma_start3A_139 = tpu.memref_slice %arg3[%add3A_137] : memref<3276800xi32, #tpu.memory_space<hbm>> -> memref<1024xi32, #tpu.memory_space<hbm>>
        tpu.enqueue_dma source(%dma_start3A_139 : memref<1024xi32, #tpu.memory_space<hbm>>) target(%arg5 : memref<1024xi32, #tpu.memory_space<vmem>>) target_semaphore(%arg13 : memref<!tpu.dma_semaphore, #tpu.memory_space<semaphore_mem>>)
      } else {
      }
      %scan3A_128 = arith.constant 0 : i32
      %scan3A_129 = arith.constant 2 : i32
      %scan3A_130 = arith.addi %scan3A_128, %scan3A_129 : i32
      %scan3A_131 = arith.constant 1 : i32
      scf.for %scan3A_133 = %scan3A_128 to %scan3A_130 step %scan3A_131  : i32 {
        %mul3A_134 = arith.constant 4 : i32
        %mul3A_135 = arith.muli %scan3A_133, %mul3A_134 : i32
        %add3A_136 = arith.constant 0 : i32
        %add3A_137 = arith.addi %add3A_136, %mul3A_135 : i32
        %mul3A_138 = arith.constant 8 : i32
        %mul3A_139 = arith.muli %add3A_115, %mul3A_138 : i32
        %add3A_140 = arith.addi %mul3A_139, %add3A_137 : i32
        %add3A_141 = arith.constant 0 : i32
        %add3A_142 = arith.addi %add3A_140, %add3A_141 : i32
        %ge3A = arith.constant 4 : i32
        %ge3A_143 = arith.cmpi sge, %add3A_142, %ge3A : i32
        %convert_element_type3A_144 = arith.extui %ge3A_143 : i1 to i32
        %cond3A_145 = arith.constant 0 : i32
        %cond3A_146 = arith.cmpi ne, %convert_element_type3A_144, %cond3A_145 : i32
        scf.if %cond3A_146 {
          %sub3A = arith.constant 4 : i32
          %sub3A_229 = arith.subi %add3A_142, %sub3A : i32
          %mul3A_230 = arith.constant 128 : i32
          %mul3A_231 = arith.muli %sub3A_229, %mul3A_230 : i32
          %add3A_232 = arith.addi %mul3A_2, %mul3A_231 : i32
          %dma_wait3A_233 = arith.constant 0 : i32
          %dma_wait3A_234 = tpu.memref_slice %arg4[%add3A_232, %dma_wait3A_233] : memref<3276800x128xf32, #tpu.memory_space<hbm>> -> memref<128x128xf32, #tpu.memory_space<hbm>>
          %dma_wait3A_235 = arith.constant 0 : i32
          %dma_wait3A_236 = tpu.memref_slice %arg4[%add3A_232, %dma_wait3A_235] : memref<3276800x128xf32, #tpu.memory_space<hbm>> -> memref<128x128xf32, #tpu.memory_space<hbm>>
          tpu.wait_dma2 semaphore(%arg21 : memref<!tpu.dma_semaphore, #tpu.memory_space<semaphore_mem>>) src(%arg9 : memref<128x128xf32, #tpu.memory_space<vmem>>) dst(%dma_wait3A_236 : memref<128x128xf32, #tpu.memory_space<hbm>>)
        } else {
        }
        %add3A_147 = arith.constant 0 : i32
        %add3A_148 = arith.addi %add3A_137, %add3A_147 : i32
        %mul3A_149 = arith.constant 128 : i32
        %mul3A_150 = arith.muli %add3A_148, %mul3A_149 : i32
        %dma_start3A_151 = tpu.memref_slice %arg8[%mul3A_150] : memref<1024xi32, #tpu.memory_space<vmem>> -> memref<128xi32, #tpu.memory_space<vmem>>
        %dma_start3A_152 = arith.constant 0 : i32
        %dma_start3A_153 = arith.constant 0 : i32
        %dma_start3A_154 = tpu.memref_slice %arg2[%dma_start3A_152, %dma_start3A_153] : memref<100000x128xf32, #tpu.memory_space<hbm>> -> memref<100000x128xf32, #tpu.memory_space<hbm>>
        tpu.enqueue_indirect_dma source(%dma_start3A_154 : memref<100000x128xf32, #tpu.memory_space<hbm>>) target(%arg9 : memref<128x128xf32, #tpu.memory_space<vmem>>) offsets(%dma_start3A_151 : memref<128xi32, #tpu.memory_space<vmem>>) semaphore(%arg17 : memref<!tpu.dma_semaphore, #tpu.memory_space<semaphore_mem>>)
        %ge3A_155 = arith.constant 2 : i32
        %ge3A_156 = arith.cmpi sge, %add3A_142, %ge3A_155 : i32
        %convert_element_type3A_157 = arith.extui %ge3A_156 : i1 to i32
        %cond3A_158 = arith.constant 0 : i32
        %cond3A_159 = arith.cmpi ne, %convert_element_type3A_157, %cond3A_158 : i32
        scf.if %cond3A_159 {
          %add3A_229 = arith.constant 0 : i32
          %add3A_230 = arith.addi %add3A_137, %add3A_229 : i32
          %mul3A_231 = arith.constant 128 : i32
          %mul3A_232 = arith.muli %add3A_230, %mul3A_231 : i32
          %dma_wait3A_233 = tpu.memref_slice %arg8[%mul3A_232] : memref<1024xi32, #tpu.memory_space<vmem>> -> memref<128xi32, #tpu.memory_space<vmem>>
          %dma_wait3A_234 = arith.constant 0 : i32
          %dma_wait3A_235 = arith.constant 0 : i32
          %dma_wait3A_236 = tpu.memref_slice %arg2[%dma_wait3A_234, %dma_wait3A_235] : memref<100000x128xf32, #tpu.memory_space<hbm>> -> memref<100000x128xf32, #tpu.memory_space<hbm>>
          tpu.wait_indirect_dma semaphore(%arg19 : memref<!tpu.dma_semaphore, #tpu.memory_space<semaphore_mem>>) src(%dma_wait3A_236 : memref<100000x128xf32, #tpu.memory_space<hbm>>) dst(%arg11 : memref<128x128xf32, #tpu.memory_space<vmem>>)
          %sub3A = arith.constant 2 : i32
          %sub3A_237 = arith.subi %add3A_142, %sub3A : i32
          %mul3A_238 = arith.constant 128 : i32
          %mul3A_239 = arith.muli %sub3A_237, %mul3A_238 : i32
          %add3A_240 = arith.addi %mul3A_2, %mul3A_239 : i32
          %dma_start3A_241 = arith.constant 0 : i32
          %dma_start3A_242 = tpu.memref_slice %arg4[%add3A_240, %dma_start3A_241] : memref<3276800x128xf32, #tpu.memory_space<hbm>> -> memref<128x128xf32, #tpu.memory_space<hbm>>
          %dma_start3A_243 = arith.constant 0 : i32
          %dma_start3A_244 = tpu.memref_slice %arg4[%add3A_240, %dma_start3A_243] : memref<3276800x128xf32, #tpu.memory_space<hbm>> -> memref<128x128xf32, #tpu.memory_space<hbm>>
          tpu.enqueue_dma source(%arg11 : memref<128x128xf32, #tpu.memory_space<vmem>>) target(%dma_start3A_244 : memref<128x128xf32, #tpu.memory_space<hbm>>) target_semaphore(%arg23 : memref<!tpu.dma_semaphore, #tpu.memory_space<semaphore_mem>>)
        } else {
        }
        %mul3A_160 = arith.constant 8 : i32
        %mul3A_161 = arith.muli %add3A_115, %mul3A_160 : i32
        %add3A_162 = arith.addi %mul3A_161, %add3A_137 : i32
        %add3A_163 = arith.constant 1 : i32
        %add3A_164 = arith.addi %add3A_162, %add3A_163 : i32
        %ge3A_165 = arith.constant 4 : i32
        %ge3A_166 = arith.cmpi sge, %add3A_164, %ge3A_165 : i32
        %convert_element_type3A_167 = arith.extui %ge3A_166 : i1 to i32
        %cond3A_168 = arith.constant 0 : i32
        %cond3A_169 = arith.cmpi ne, %convert_element_type3A_167, %cond3A_168 : i32
        scf.if %cond3A_169 {
          %sub3A = arith.constant 4 : i32
          %sub3A_229 = arith.subi %add3A_164, %sub3A : i32
          %mul3A_230 = arith.constant 128 : i32
          %mul3A_231 = arith.muli %sub3A_229, %mul3A_230 : i32
          %add3A_232 = arith.addi %mul3A_2, %mul3A_231 : i32
          %dma_wait3A_233 = arith.constant 0 : i32
          %dma_wait3A_234 = tpu.memref_slice %arg4[%add3A_232, %dma_wait3A_233] : memref<3276800x128xf32, #tpu.memory_space<hbm>> -> memref<128x128xf32, #tpu.memory_space<hbm>>
          %dma_wait3A_235 = arith.constant 0 : i32
          %dma_wait3A_236 = tpu.memref_slice %arg4[%add3A_232, %dma_wait3A_235] : memref<3276800x128xf32, #tpu.memory_space<hbm>> -> memref<128x128xf32, #tpu.memory_space<hbm>>
          tpu.wait_dma2 semaphore(%arg22 : memref<!tpu.dma_semaphore, #tpu.memory_space<semaphore_mem>>) src(%arg10 : memref<128x128xf32, #tpu.memory_space<vmem>>) dst(%dma_wait3A_236 : memref<128x128xf32, #tpu.memory_space<hbm>>)
        } else {
        }
        %add3A_170 = arith.constant 1 : i32
        %add3A_171 = arith.addi %add3A_137, %add3A_170 : i32
        %mul3A_172 = arith.constant 128 : i32
        %mul3A_173 = arith.muli %add3A_171, %mul3A_172 : i32
        %dma_start3A_174 = tpu.memref_slice %arg8[%mul3A_173] : memref<1024xi32, #tpu.memory_space<vmem>> -> memref<128xi32, #tpu.memory_space<vmem>>
        %dma_start3A_175 = arith.constant 0 : i32
        %dma_start3A_176 = arith.constant 0 : i32
        %dma_start3A_177 = tpu.memref_slice %arg2[%dma_start3A_175, %dma_start3A_176] : memref<100000x128xf32, #tpu.memory_space<hbm>> -> memref<100000x128xf32, #tpu.memory_space<hbm>>
        tpu.enqueue_indirect_dma source(%dma_start3A_177 : memref<100000x128xf32, #tpu.memory_space<hbm>>) target(%arg10 : memref<128x128xf32, #tpu.memory_space<vmem>>) offsets(%dma_start3A_174 : memref<128xi32, #tpu.memory_space<vmem>>) semaphore(%arg18 : memref<!tpu.dma_semaphore, #tpu.memory_space<semaphore_mem>>)
        %ge3A_178 = arith.constant 2 : i32
        %ge3A_179 = arith.cmpi sge, %add3A_164, %ge3A_178 : i32
        %convert_element_type3A_180 = arith.extui %ge3A_179 : i1 to i32
        %cond3A_181 = arith.constant 0 : i32
        %cond3A_182 = arith.cmpi ne, %convert_element_type3A_180, %cond3A_181 : i32
        scf.if %cond3A_182 {
          %add3A_229 = arith.constant 1 : i32
          %add3A_230 = arith.addi %add3A_137, %add3A_229 : i32
          %mul3A_231 = arith.constant 128 : i32
          %mul3A_232 = arith.muli %add3A_230, %mul3A_231 : i32
          %dma_wait3A_233 = tpu.memref_slice %arg8[%mul3A_232] : memref<1024xi32, #tpu.memory_space<vmem>> -> memref<128xi32, #tpu.memory_space<vmem>>
          %dma_wait3A_234 = arith.constant 0 : i32
          %dma_wait3A_235 = arith.constant 0 : i32
          %dma_wait3A_236 = tpu.memref_slice %arg2[%dma_wait3A_234, %dma_wait3A_235] : memref<100000x128xf32, #tpu.memory_space<hbm>> -> memref<100000x128xf32, #tpu.memory_space<hbm>>
          tpu.wait_indirect_dma semaphore(%arg20 : memref<!tpu.dma_semaphore, #tpu.memory_space<semaphore_mem>>) src(%dma_wait3A_236 : memref<100000x128xf32, #tpu.memory_space<hbm>>) dst(%arg12 : memref<128x128xf32, #tpu.memory_space<vmem>>)
          %sub3A = arith.constant 2 : i32
          %sub3A_237 = arith.subi %add3A_164, %sub3A : i32
          %mul3A_238 = arith.constant 128 : i32
          %mul3A_239 = arith.muli %sub3A_237, %mul3A_238 : i32
          %add3A_240 = arith.addi %mul3A_2, %mul3A_239 : i32
          %dma_start3A_241 = arith.constant 0 : i32
          %dma_start3A_242 = tpu.memref_slice %arg4[%add3A_240, %dma_start3A_241] : memref<3276800x128xf32, #tpu.memory_space<hbm>> -> memref<128x128xf32, #tpu.memory_space<hbm>>
          %dma_start3A_243 = arith.constant 0 : i32
          %dma_start3A_244 = tpu.memref_slice %arg4[%add3A_240, %dma_start3A_243] : memref<3276800x128xf32, #tpu.memory_space<hbm>> -> memref<128x128xf32, #tpu.memory_space<hbm>>
          tpu.enqueue_dma source(%arg12 : memref<128x128xf32, #tpu.memory_space<vmem>>) target(%dma_start3A_244 : memref<128x128xf32, #tpu.memory_space<hbm>>) target_semaphore(%arg24 : memref<!tpu.dma_semaphore, #tpu.memory_space<semaphore_mem>>)
        } else {
        }
        %mul3A_183 = arith.constant 8 : i32
        %mul3A_184 = arith.muli %add3A_115, %mul3A_183 : i32
        %add3A_185 = arith.addi %mul3A_184, %add3A_137 : i32
        %add3A_186 = arith.constant 2 : i32
        %add3A_187 = arith.addi %add3A_185, %add3A_186 : i32
        %ge3A_188 = arith.constant 4 : i32
        %ge3A_189 = arith.cmpi sge, %add3A_187, %ge3A_188 : i32
        %convert_element_type3A_190 = arith.extui %ge3A_189 : i1 to i32
        %cond3A_191 = arith.constant 0 : i32
        %cond3A_192 = arith.cmpi ne, %convert_element_type3A_190, %cond3A_191 : i32
        scf.if %cond3A_192 {
          %sub3A = arith.constant 4 : i32
          %sub3A_229 = arith.subi %add3A_187, %sub3A : i32
          %mul3A_230 = arith.constant 128 : i32
          %mul3A_231 = arith.muli %sub3A_229, %mul3A_230 : i32
          %add3A_232 = arith.addi %mul3A_2, %mul3A_231 : i32
          %dma_wait3A_233 = arith.constant 0 : i32
          %dma_wait3A_234 = tpu.memref_slice %arg4[%add3A_232, %dma_wait3A_233] : memref<3276800x128xf32, #tpu.memory_space<hbm>> -> memref<128x128xf32, #tpu.memory_space<hbm>>
          %dma_wait3A_235 = arith.constant 0 : i32
          %dma_wait3A_236 = tpu.memref_slice %arg4[%add3A_232, %dma_wait3A_235] : memref<3276800x128xf32, #tpu.memory_space<hbm>> -> memref<128x128xf32, #tpu.memory_space<hbm>>
          tpu.wait_dma2 semaphore(%arg23 : memref<!tpu.dma_semaphore, #tpu.memory_space<semaphore_mem>>) src(%arg11 : memref<128x128xf32, #tpu.memory_space<vmem>>) dst(%dma_wait3A_236 : memref<128x128xf32, #tpu.memory_space<hbm>>)
        } else {
        }
        %add3A_193 = arith.constant 2 : i32
        %add3A_194 = arith.addi %add3A_137, %add3A_193 : i32
        %mul3A_195 = arith.constant 128 : i32
        %mul3A_196 = arith.muli %add3A_194, %mul3A_195 : i32
        %dma_start3A_197 = tpu.memref_slice %arg8[%mul3A_196] : memref<1024xi32, #tpu.memory_space<vmem>> -> memref<128xi32, #tpu.memory_space<vmem>>
        %dma_start3A_198 = arith.constant 0 : i32
        %dma_start3A_199 = arith.constant 0 : i32
        %dma_start3A_200 = tpu.memref_slice %arg2[%dma_start3A_198, %dma_start3A_199] : memref<100000x128xf32, #tpu.memory_space<hbm>> -> memref<100000x128xf32, #tpu.memory_space<hbm>>
        tpu.enqueue_indirect_dma source(%dma_start3A_200 : memref<100000x128xf32, #tpu.memory_space<hbm>>) target(%arg11 : memref<128x128xf32, #tpu.memory_space<vmem>>) offsets(%dma_start3A_197 : memref<128xi32, #tpu.memory_space<vmem>>) semaphore(%arg19 : memref<!tpu.dma_semaphore, #tpu.memory_space<semaphore_mem>>)
        %ge3A_201 = arith.constant 2 : i32
        %ge3A_202 = arith.cmpi sge, %add3A_187, %ge3A_201 : i32
        %convert_element_type3A_203 = arith.extui %ge3A_202 : i1 to i32
        %cond3A_204 = arith.constant 0 : i32
        %cond3A_205 = arith.cmpi ne, %convert_element_type3A_203, %cond3A_204 : i32
        scf.if %cond3A_205 {
          %add3A_229 = arith.constant 2 : i32
          %add3A_230 = arith.addi %add3A_137, %add3A_229 : i32
          %mul3A_231 = arith.constant 128 : i32
          %mul3A_232 = arith.muli %add3A_230, %mul3A_231 : i32
          %dma_wait3A_233 = tpu.memref_slice %arg8[%mul3A_232] : memref<1024xi32, #tpu.memory_space<vmem>> -> memref<128xi32, #tpu.memory_space<vmem>>
          %dma_wait3A_234 = arith.constant 0 : i32
          %dma_wait3A_235 = arith.constant 0 : i32
          %dma_wait3A_236 = tpu.memref_slice %arg2[%dma_wait3A_234, %dma_wait3A_235] : memref<100000x128xf32, #tpu.memory_space<hbm>> -> memref<100000x128xf32, #tpu.memory_space<hbm>>
          tpu.wait_indirect_dma semaphore(%arg17 : memref<!tpu.dma_semaphore, #tpu.memory_space<semaphore_mem>>) src(%dma_wait3A_236 : memref<100000x128xf32, #tpu.memory_space<hbm>>) dst(%arg9 : memref<128x128xf32, #tpu.memory_space<vmem>>)
          %sub3A = arith.constant 2 : i32
          %sub3A_237 = arith.subi %add3A_187, %sub3A : i32
          %mul3A_238 = arith.constant 128 : i32
          %mul3A_239 = arith.muli %sub3A_237, %mul3A_238 : i32
          %add3A_240 = arith.addi %mul3A_2, %mul3A_239 : i32
          %dma_start3A_241 = arith.constant 0 : i32
          %dma_start3A_242 = tpu.memref_slice %arg4[%add3A_240, %dma_start3A_241] : memref<3276800x128xf32, #tpu.memory_space<hbm>> -> memref<128x128xf32, #tpu.memory_space<hbm>>
          %dma_start3A_243 = arith.constant 0 : i32
          %dma_start3A_244 = tpu.memref_slice %arg4[%add3A_240, %dma_start3A_243] : memref<3276800x128xf32, #tpu.memory_space<hbm>> -> memref<128x128xf32, #tpu.memory_space<hbm>>
          tpu.enqueue_dma source(%arg9 : memref<128x128xf32, #tpu.memory_space<vmem>>) target(%dma_start3A_244 : memref<128x128xf32, #tpu.memory_space<hbm>>) target_semaphore(%arg21 : memref<!tpu.dma_semaphore, #tpu.memory_space<semaphore_mem>>)
        } else {
        }
        %mul3A_206 = arith.constant 8 : i32
        %mul3A_207 = arith.muli %add3A_115, %mul3A_206 : i32
        %add3A_208 = arith.addi %mul3A_207, %add3A_137 : i32
        %add3A_209 = arith.constant 3 : i32
        %add3A_210 = arith.addi %add3A_208, %add3A_209 : i32
        %ge3A_211 = arith.constant 4 : i32
        %ge3A_212 = arith.cmpi sge, %add3A_210, %ge3A_211 : i32
        %convert_element_type3A_213 = arith.extui %ge3A_212 : i1 to i32
        %cond3A_214 = arith.constant 0 : i32
        %cond3A_215 = arith.cmpi ne, %convert_element_type3A_213, %cond3A_214 : i32
        scf.if %cond3A_215 {
          %sub3A = arith.constant 4 : i32
          %sub3A_229 = arith.subi %add3A_210, %sub3A : i32
          %mul3A_230 = arith.constant 128 : i32
          %mul3A_231 = arith.muli %sub3A_229, %mul3A_230 : i32
          %add3A_232 = arith.addi %mul3A_2, %mul3A_231 : i32
          %dma_wait3A_233 = arith.constant 0 : i32
          %dma_wait3A_234 = tpu.memref_slice %arg4[%add3A_232, %dma_wait3A_233] : memref<3276800x128xf32, #tpu.memory_space<hbm>> -> memref<128x128xf32, #tpu.memory_space<hbm>>
          %dma_wait3A_235 = arith.constant 0 : i32
          %dma_wait3A_236 = tpu.memref_slice %arg4[%add3A_232, %dma_wait3A_235] : memref<3276800x128xf32, #tpu.memory_space<hbm>> -> memref<128x128xf32, #tpu.memory_space<hbm>>
          tpu.wait_dma2 semaphore(%arg24 : memref<!tpu.dma_semaphore, #tpu.memory_space<semaphore_mem>>) src(%arg12 : memref<128x128xf32, #tpu.memory_space<vmem>>) dst(%dma_wait3A_236 : memref<128x128xf32, #tpu.memory_space<hbm>>)
        } else {
        }
        %add3A_216 = arith.constant 3 : i32
        %add3A_217 = arith.addi %add3A_137, %add3A_216 : i32
        %mul3A_218 = arith.constant 128 : i32
        %mul3A_219 = arith.muli %add3A_217, %mul3A_218 : i32
        %dma_start3A_220 = tpu.memref_slice %arg8[%mul3A_219] : memref<1024xi32, #tpu.memory_space<vmem>> -> memref<128xi32, #tpu.memory_space<vmem>>
        %dma_start3A_221 = arith.constant 0 : i32
        %dma_start3A_222 = arith.constant 0 : i32
        %dma_start3A_223 = tpu.memref_slice %arg2[%dma_start3A_221, %dma_start3A_222] : memref<100000x128xf32, #tpu.memory_space<hbm>> -> memref<100000x128xf32, #tpu.memory_space<hbm>>
        tpu.enqueue_indirect_dma source(%dma_start3A_223 : memref<100000x128xf32, #tpu.memory_space<hbm>>) target(%arg12 : memref<128x128xf32, #tpu.memory_space<vmem>>) offsets(%dma_start3A_220 : memref<128xi32, #tpu.memory_space<vmem>>) semaphore(%arg20 : memref<!tpu.dma_semaphore, #tpu.memory_space<semaphore_mem>>)
        %ge3A_224 = arith.constant 2 : i32
        %ge3A_225 = arith.cmpi sge, %add3A_210, %ge3A_224 : i32
        %convert_element_type3A_226 = arith.extui %ge3A_225 : i1 to i32
        %cond3A_227 = arith.constant 0 : i32
        %cond3A_228 = arith.cmpi ne, %convert_element_type3A_226, %cond3A_227 : i32
        scf.if %cond3A_228 {
          %add3A_229 = arith.constant 3 : i32
          %add3A_230 = arith.addi %add3A_137, %add3A_229 : i32
          %mul3A_231 = arith.constant 128 : i32
          %mul3A_232 = arith.muli %add3A_230, %mul3A_231 : i32
          %dma_wait3A_233 = tpu.memref_slice %arg8[%mul3A_232] : memref<1024xi32, #tpu.memory_space<vmem>> -> memref<128xi32, #tpu.memory_space<vmem>>
          %dma_wait3A_234 = arith.constant 0 : i32
          %dma_wait3A_235 = arith.constant 0 : i32
          %dma_wait3A_236 = tpu.memref_slice %arg2[%dma_wait3A_234, %dma_wait3A_235] : memref<100000x128xf32, #tpu.memory_space<hbm>> -> memref<100000x128xf32, #tpu.memory_space<hbm>>
          tpu.wait_indirect_dma semaphore(%arg18 : memref<!tpu.dma_semaphore, #tpu.memory_space<semaphore_mem>>) src(%dma_wait3A_236 : memref<100000x128xf32, #tpu.memory_space<hbm>>) dst(%arg10 : memref<128x128xf32, #tpu.memory_space<vmem>>)
          %sub3A = arith.constant 2 : i32
          %sub3A_237 = arith.subi %add3A_210, %sub3A : i32
          %mul3A_238 = arith.constant 128 : i32
          %mul3A_239 = arith.muli %sub3A_237, %mul3A_238 : i32
          %add3A_240 = arith.addi %mul3A_2, %mul3A_239 : i32
          %dma_start3A_241 = arith.constant 0 : i32
          %dma_start3A_242 = tpu.memref_slice %arg4[%add3A_240, %dma_start3A_241] : memref<3276800x128xf32, #tpu.memory_space<hbm>> -> memref<128x128xf32, #tpu.memory_space<hbm>>
          %dma_start3A_243 = arith.constant 0 : i32
          %dma_start3A_244 = tpu.memref_slice %arg4[%add3A_240, %dma_start3A_243] : memref<3276800x128xf32, #tpu.memory_space<hbm>> -> memref<128x128xf32, #tpu.memory_space<hbm>>
          tpu.enqueue_dma source(%arg10 : memref<128x128xf32, #tpu.memory_space<vmem>>) target(%dma_start3A_244 : memref<128x128xf32, #tpu.memory_space<hbm>>) target_semaphore(%arg22 : memref<!tpu.dma_semaphore, #tpu.memory_space<semaphore_mem>>)
        } else {
        }
      }
      %scan3A_132 = arith.constant 2 : i32
    }
    %scan3A_9 = arith.constant 25 : i32
    %dma_wait3A = arith.constant 0 : i32
    %dma_wait3A_10 = tpu.memref_slice %arg5[%dma_wait3A] : memref<1024xi32, #tpu.memory_space<vmem>> -> memref<128xi32, #tpu.memory_space<vmem>>
    %dma_wait3A_11 = arith.constant 0 : i32
    %dma_wait3A_12 = arith.constant 0 : i32
    %dma_wait3A_13 = tpu.memref_slice %arg2[%dma_wait3A_11, %dma_wait3A_12] : memref<100000x128xf32, #tpu.memory_space<hbm>> -> memref<100000x128xf32, #tpu.memory_space<hbm>>
    tpu.wait_indirect_dma semaphore(%arg19 : memref<!tpu.dma_semaphore, #tpu.memory_space<semaphore_mem>>) src(%dma_wait3A_13 : memref<100000x128xf32, #tpu.memory_space<hbm>>) dst(%arg11 : memref<128x128xf32, #tpu.memory_space<vmem>>)
    %add3A_14 = arith.constant 102144 : i32
    %add3A_15 = arith.addi %mul3A_2, %add3A_14 : i32
    %dma_start3A_16 = arith.constant 0 : i32
    %dma_start3A_17 = tpu.memref_slice %arg4[%add3A_15, %dma_start3A_16] : memref<3276800x128xf32, #tpu.memory_space<hbm>> -> memref<128x128xf32, #tpu.memory_space<hbm>>
    %dma_start3A_18 = arith.constant 0 : i32
    %dma_start3A_19 = tpu.memref_slice %arg4[%add3A_15, %dma_start3A_18] : memref<3276800x128xf32, #tpu.memory_space<hbm>> -> memref<128x128xf32, #tpu.memory_space<hbm>>
    tpu.enqueue_dma source(%arg11 : memref<128x128xf32, #tpu.memory_space<vmem>>) target(%dma_start3A_19 : memref<128x128xf32, #tpu.memory_space<hbm>>) target_semaphore(%arg23 : memref<!tpu.dma_semaphore, #tpu.memory_space<semaphore_mem>>)
    %dma_wait3A_20 = arith.constant 0 : i32
    %dma_wait3A_21 = tpu.memref_slice %arg5[%dma_wait3A_20] : memref<1024xi32, #tpu.memory_space<vmem>> -> memref<128xi32, #tpu.memory_space<vmem>>
    %dma_wait3A_22 = arith.constant 0 : i32
    %dma_wait3A_23 = arith.constant 0 : i32
    %dma_wait3A_24 = tpu.memref_slice %arg2[%dma_wait3A_22, %dma_wait3A_23] : memref<100000x128xf32, #tpu.memory_space<hbm>> -> memref<100000x128xf32, #tpu.memory_space<hbm>>
    tpu.wait_indirect_dma semaphore(%arg20 : memref<!tpu.dma_semaphore, #tpu.memory_space<semaphore_mem>>) src(%dma_wait3A_24 : memref<100000x128xf32, #tpu.memory_space<hbm>>) dst(%arg12 : memref<128x128xf32, #tpu.memory_space<vmem>>)
    %add3A_25 = arith.constant 102272 : i32
    %add3A_26 = arith.addi %mul3A_2, %add3A_25 : i32
    %dma_start3A_27 = arith.constant 0 : i32
    %dma_start3A_28 = tpu.memref_slice %arg4[%add3A_26, %dma_start3A_27] : memref<3276800x128xf32, #tpu.memory_space<hbm>> -> memref<128x128xf32, #tpu.memory_space<hbm>>
    %dma_start3A_29 = arith.constant 0 : i32
    %dma_start3A_30 = tpu.memref_slice %arg4[%add3A_26, %dma_start3A_29] : memref<3276800x128xf32, #tpu.memory_space<hbm>> -> memref<128x128xf32, #tpu.memory_space<hbm>>
    tpu.enqueue_dma source(%arg12 : memref<128x128xf32, #tpu.memory_space<vmem>>) target(%dma_start3A_30 : memref<128x128xf32, #tpu.memory_space<hbm>>) target_semaphore(%arg24 : memref<!tpu.dma_semaphore, #tpu.memory_space<semaphore_mem>>)
    %add3A_31 = arith.constant 102272 : i32
    %add3A_32 = arith.addi %mul3A_2, %add3A_31 : i32
    %dma_wait3A_33 = arith.constant 0 : i32
    %dma_wait3A_34 = tpu.memref_slice %arg4[%add3A_32, %dma_wait3A_33] : memref<3276800x128xf32, #tpu.memory_space<hbm>> -> memref<128x128xf32, #tpu.memory_space<hbm>>
    %dma_wait3A_35 = arith.constant 0 : i32
    %dma_wait3A_36 = tpu.memref_slice %arg4[%add3A_32, %dma_wait3A_35] : memref<3276800x128xf32, #tpu.memory_space<hbm>> -> memref<128x128xf32, #tpu.memory_space<hbm>>
    tpu.wait_dma2 semaphore(%arg21 : memref<!tpu.dma_semaphore, #tpu.memory_space<semaphore_mem>>) src(%arg9 : memref<128x128xf32, #tpu.memory_space<vmem>>) dst(%dma_wait3A_36 : memref<128x128xf32, #tpu.memory_space<hbm>>)
    %add3A_37 = arith.constant 102272 : i32
    %add3A_38 = arith.addi %mul3A_2, %add3A_37 : i32
    %dma_wait3A_39 = arith.constant 0 : i32
    %dma_wait3A_40 = tpu.memref_slice %arg4[%add3A_38, %dma_wait3A_39] : memref<3276800x128xf32, #tpu.memory_space<hbm>> -> memref<128x128xf32, #tpu.memory_space<hbm>>
    %dma_wait3A_41 = arith.constant 0 : i32
    %dma_wait3A_42 = tpu.memref_slice %arg4[%add3A_38, %dma_wait3A_41] : memref<3276800x128xf32, #tpu.memory_space<hbm>> -> memref<128x128xf32, #tpu.memory_space<hbm>>
    tpu.wait_dma2 semaphore(%arg22 : memref<!tpu.dma_semaphore, #tpu.memory_space<semaphore_mem>>) src(%arg10 : memref<128x128xf32, #tpu.memory_space<vmem>>) dst(%dma_wait3A_42 : memref<128x128xf32, #tpu.memory_space<hbm>>)
    %add3A_43 = arith.constant 102272 : i32
    %add3A_44 = arith.addi %mul3A_2, %add3A_43 : i32
    %dma_wait3A_45 = arith.constant 0 : i32
    %dma_wait3A_46 = tpu.memref_slice %arg4[%add3A_44, %dma_wait3A_45] : memref<3276800x128xf32, #tpu.memory_space<hbm>> -> memref<128x128xf32, #tpu.memory_space<hbm>>
    %dma_wait3A_47 = arith.constant 0 : i32
    %dma_wait3A_48 = tpu.memref_slice %arg4[%add3A_44, %dma_wait3A_47] : memref<3276800x128xf32, #tpu.memory_space<hbm>> -> memref<128x128xf32, #tpu.memory_space<hbm>>
    tpu.wait_dma2 semaphore(%arg23 : memref<!tpu.dma_semaphore, #tpu.memory_space<semaphore_mem>>) src(%arg11 : memref<128x128xf32, #tpu.memory_space<vmem>>) dst(%dma_wait3A_48 : memref<128x128xf32, #tpu.memory_space<hbm>>)
    %add3A_49 = arith.constant 102272 : i32
    %add3A_50 = arith.addi %mul3A_2, %add3A_49 : i32
    %dma_wait3A_51 = arith.constant 0 : i32
    %dma_wait3A_52 = tpu.memref_slice %arg4[%add3A_50, %dma_wait3A_51] : memref<3276800x128xf32, #tpu.memory_space<hbm>> -> memref<128x128xf32, #tpu.memory_space<hbm>>
    %dma_wait3A_53 = arith.constant 0 : i32
    %dma_wait3A_54 = tpu.memref_slice %arg4[%add3A_50, %dma_wait3A_53] : memref<3276800x128xf32, #tpu.memory_space<hbm>> -> memref<128x128xf32, #tpu.memory_space<hbm>>
    tpu.wait_dma2 semaphore(%arg24 : memref<!tpu.dma_semaphore, #tpu.memory_space<semaphore_mem>>) src(%arg12 : memref<128x128xf32, #tpu.memory_space<vmem>>) dst(%dma_wait3A_54 : memref<128x128xf32, #tpu.memory_space<hbm>>)
    return
  }
}

module attributes {stable_mosaic.version = 14 : i64} {
  func.func @_transform_body(%arg0: i32, %arg1: memref<10000x128xf32, #tpu.memory_space<vmem>>, %arg2: memref<128x128xf32, #tpu.memory_space<vmem>>, %arg3: memref<1x128xf32, #tpu.memory_space<vmem>>, %arg4: memref<10000x128xf32, #tpu.memory_space<vmem>>) attributes {dimension_semantics = [#tpu.dimension_semantics<arbitrary>], iteration_bounds = array<i64: 10>, scalar_prefetch = 0 : i64, scratch_operands = 0 : i64, tpu.core_type = #tpu.core_type<tc>, window_params = [{transform_indices = @transform_0, window_bounds = array<i64: 10000, 128>}, {pipeline_mode = #tpu.pipeline_mode<synchronous>, transform_indices = @transform_1, window_bounds = array<i64: 128, 128>}, {pipeline_mode = #tpu.pipeline_mode<synchronous>, transform_indices = @transform_2, window_bounds = array<i64: 1, 128>}, {transform_indices = @transform_3, window_bounds = array<i64: 10000, 128>}]} {
    %get3A = arith.constant 0 : index
    %get3A_0 = arith.constant 0 : index
    %get3A_1 = vector.load %arg1[%get3A, %get3A_0] : memref<10000x128xf32, #tpu.memory_space<vmem>>, vector<10000x128xf32>
    %iota3A = tpu.iota {dimensions = array<i32: 0>} : vector<10000x128xi32>
    %eq3A = arith.constant 0 : i32
    %eq3A_2 = arith.cmpi eq, %arg0, %eq3A : i32
    %eq3A_3 = arith.constant 0 : i32
    %eq3A_4 = vector.broadcast %eq3A_3 : i32 to vector<10000x128xi32>
    %eq3A_5 = arith.cmpi eq, %iota3A, %eq3A_4 : vector<10000x128xi32>
    %and3A = vector.broadcast %eq3A_2 : i1 to vector<10000x128xi1>
    %and3A_6 = arith.andi %and3A, %eq3A_5 : vector<10000x128xi1>
    %jit3A = arith.constant 0.000000e+00 : f32
    %broadcast_in_dim3A = vector.broadcast %jit3A : f32 to vector<10000x128xf32>
    %select_n3A = arith.select %and3A_6, %broadcast_in_dim3A, %get3A_1 : vector<10000x128xi1>, vector<10000x128xf32>
    %get3A_7 = arith.constant 0 : index
    %get3A_8 = arith.constant 0 : index
    %get3A_9 = vector.load %arg2[%get3A_7, %get3A_8] : memref<128x128xf32, #tpu.memory_space<vmem>>, vector<128x128xf32>
    %dot_general3A = arith.constant dense<0.000000e+00> : vector<10000x128xf32>
    %dot_general3A_10 = tpu.matmul %select_n3A, %get3A_9, %dot_general3A {dimension_numbers = #tpu.dot_dimension_numbers<[1], [1], [0], [0], [0, 0, 1, 0], [], []>, transpose_lhs_hint = false} : vector<10000x128xf32>, vector<128x128xf32>, vector<10000x128xf32> -> vector<10000x128xf32>
    %get3A_11 = arith.constant 0 : index
    %get3A_12 = arith.constant 0 : index
    %get3A_13 = vector.load %arg3[%get3A_11, %get3A_12] : memref<1x128xf32, #tpu.memory_space<vmem>>, vector<1x128xf32>
    %add3A = vector.broadcast %get3A_13 : vector<1x128xf32> to vector<10000x128xf32>
    %add3A_14 = arith.addf %dot_general3A_10, %add3A : vector<10000x128xf32>
    %max3A = arith.constant 0.000000e+00 : f32
    %max3A_15 = vector.broadcast %max3A : f32 to vector<10000x128xf32>
    %max3A_16 = arith.maximumf %add3A_14, %max3A_15 : vector<10000x128xf32>
    %swap3A = arith.constant 0 : index
    %swap3A_17 = arith.constant 0 : index
    %swap3A_18 = vector.load %arg4[%swap3A, %swap3A_17] : memref<10000x128xf32, #tpu.memory_space<vmem>>, vector<10000x128xf32>
    tpu.vector_store %arg4[%swap3A, %swap3A_17], %max3A_16 {strides = array<i32>} : memref<10000x128xf32, #tpu.memory_space<vmem>>, vector<10000x128xf32>,
    return
  }
  func.func @transform_0(%arg0: i32) -> (i32, i32) {
    %c0_i32 = arith.constant 0 : i32
    %c0_i32_0 = arith.constant 0 : i32
    return %arg0, %c0_i32 : i32, i32
  }
  func.func @transform_1(%arg0: i32) -> (i32, i32) {
    %c0_i32 = arith.constant 0 : i32
    %c0_i32_0 = arith.constant 0 : i32
    %c0_i32_1 = arith.constant 0 : i32
    return %c0_i32, %c0_i32_0 : i32, i32
  }
  func.func @transform_2(%arg0: i32) -> (i32, i32) {
    %c0_i32 = arith.constant 0 : i32
    %c0_i32_0 = arith.constant 0 : i32
    %c0_i32_1 = arith.constant 0 : i32
    return %c0_i32, %c0_i32_0 : i32, i32
  }
  func.func @transform_3(%arg0: i32) -> (i32, i32) {
    %c0_i32 = arith.constant 0 : i32
    %c0_i32_0 = arith.constant 0 : i32
    return %arg0, %c0_i32 : i32, i32
  }
}

</mosaic_0001>

<sc_bundles>
// kernel: kernel.4.cloned.1.call-start
scs
__scs_entry_jumppad:
0x0: {  	(pc) =	sbr.rel $0x88, $3  }
0x1: {  	(tag) =	ssettag $0x0;
	lr =	simm.s32 $0x1  }
0x2: {  	[smem:$0x3F9D] =	sst lr;
	_ =	strace $0xD0000000  }
0x3: {  	_ = 	snop  }
0x4: {  	_ = 	snop  }
0x5: {  	_ = 	snop  }
0x6: {  	_ = 	snop  }
0x7: {  	_ = 	snop  }
__scs_overlays_trampoline_lowered:
0x8: {  	[smem:$0x3FAC] =	sst s0  }
0x9: {  	[smem:$0x3FAD] =	sst s1  }
0xa: {  	[smem:$0x3FAE] =	sst s2  }
0xb: {  	[smem:$0x3FAF] =	sst s3  }
0xc: {  	[smem:$0x3FB0] =	sst s4  }
0xd: {  	[smem:$0x3FB1] =	sst s5  }
0xe: {  	[smem:$0x3FB2] =	sst s6  }
0xf: {  	[smem:$0x3FB3] =	sst s7  }
0x10: {  	[smem:$0x3FB4] =	sst s8  }
0x11: {  	[smem:$0x3FB5] =	sst s9;
	s0 =	simm.s32 @!p0 $0x0  }
0x12: {  	s1 =	sld [smem:$0x3F9B];
	s0 =	simm.s32 @p0 $0x1  }
0x13: {  	[smem:$0x3FB6] =	sst s0;
	s0 =	simm.s32 @!p1 $0x0  }
0x14: {  	s2 =	sld [smem:$0x3F9A];
	s0 =	simm.s32 @p1 $0x1  }
0x15: {  	[smem:$0x3FB7] =	sst s0;
	s0 =	simm.s32 @!p2 $0x0  }
0x16: {  	s3 =	sld [smem:$0x3FDB];
	s0 =	simm.s32 @p2 $0x1  }
0x17: {  	s4 =	simm.s32 $0x1BF5;
	[smem:$0x3FB9] =	sst s0  }
0x18: {  	s0 =	sld [smem:$0x3F9C];
	_ =	swait.ge [sflag:s4], $0x0  }
0x19: {  	s7 =	sld [smem:$0x3F9D]  }
0x1a: {  	s8 =	sadd.s32 $0xFFFFE003, lr  }
0x1b: {  	s9 =	sadd.s32 $0xFFFFFEF7, lr;
	s5 =	simm.s32 $0xFFFFFFFF;
	p2 =	slt.u32 s8, $0xFFFFF086  }
0x1c: {  	p1 =	slt.u32 s9, $0xF7A;
	s5 =	simm.s32 @!p2 $0x0  }
0x1d: {  	s5 =	simm.s32 @p1 $0x1;
	p0 =	seq.s32 s7, s2  }
0x1e: {  	s7 =	smul.u32 @!p0 $0xF7A, s2;
	p2 =	seq.s32 @!p0 s5, $0x0  }
0x1f: {  	s9 =	smul.u32 $0xF7A, s1;
	s8 =	simm.s32 @!p0 $0x1BF5;
	p2 =	por !p2, p0  }
0x20: {  	[sflag:s8] =	ssyncset.s32 @!p0 $0xFFFFF086;
	s6 =	sadd.s32 @!p0 s3, s7;
	s7 =	simm.s32 @!p0 $0x108  }
0x21: {  	s3 =	sadd.s32 s3, s9;
	s6 =	sadd.s32 @!p0 $0x88, s6;
	s7 =	simm.s32 @p2 $0x1082  }
0x22: {  	[simem:s7], [sflag:s8] =	dma.local @!p0 [hbm:s6], $0xF7A  }
0x23: {  	s9 =	sor.u32 $0xD0000000, s2;
	s6 =	simm.s32 $0x108;
	_ =	swait.ge @!p0 [sflag:s8], $0x0  }
0x24: {  	s3 =	sadd.s32 $0x88, s3;
	s6 =	simm.s32 @!p1 $0x1082;
	[sflag:s4] =	ssyncset.s32 $0xFFFFF086  }
0x25: {  	[simem:s6], [sflag:s4] =	dma.local [hbm:s3], $0xF7A  }
0x26: {  	[smem:$0x3F9D] =	sst s1;
	(tag) =	ssettag s2;
	_ =	strace s9  }
0x27: {  	s1 =	sld [smem:$0x3FAD]  }
0x28: {  	s2 =	sld [smem:$0x3FAE]  }
0x29: {  	s4 =	sld [smem:$0x3FB0]  }
0x2a: {  	p0 =	seq.s32 s5, $0x0;
	s5 =	sld [smem:$0x3FB1]  }
0x2b: {  	s6 =	sld [smem:$0x3FB2]  }
0x2c: {  	s7 =	sld [smem:$0x3FB3]  }
0x2d: {  	s3 =	simm.s32 $0x108;
	s8 =	sld [smem:$0x3FB4]  }
0x2e: {  	s3 =	simm.s32 @!p0 $0x1082;
	s9 =	sld [smem:$0x3FB5]  }
0x2f: {  	lr =	sadd.s32 s0, s3;
	s0 =	sld [smem:$0x3FAC]  }
0x30: {  	s3 =	sld [smem:$0x3FAF]  }
0x31: {  	[smem:$0x3FB8] =	sst s10  }
0x32: {  	s10 =	sld [smem:$0x3FB6];
	_ =	sdelay $0x3  }
0x33: {  	p0 =	seq.s32 s10, $0x1;
	s10 =	sld [smem:$0x3FB8];
	_ =	sdelay $0x3  }
0x34: {  	[smem:$0x3FB8] =	sst s10  }
0x35: {  	s10 =	sld [smem:$0x3FB7];
	_ =	sdelay $0x3  }
0x36: {  	p1 =	seq.s32 s10, $0x1;
	s10 =	sld [smem:$0x3FB8];
	_ =	sdelay $0x3  }
0x37: {  	[smem:$0x3FB8] =	sst s10  }
0x38: {  	s10 =	sld [smem:$0x3FB9]  }
0x39: {  	_ = 	snop;
	(pc) =	sbr.ind lr, $3  }
0x3a: {  	_ = 	snop  }
0x3b: {  	_ = 	snop  }
0x3c: {  	p2 =	seq.s32 s10, $0x1;
	s10 =	sld [smem:$0x3FB8]  }
0x3d: {  	_ =	shalt  }
0x3e: {  	_ =	shalt  }
0x3f: {  	_ =	shalt  }
0x40: {  	_ =	shalt  }
0x41: {  	_ =	shalt  }
0x42: {  	_ =	shalt  }
0x43: {  	_ =	shalt  }
0x44: {  	_ =	shalt  }
0x45: {  	_ =	shalt  }
0x46: {  	_ =	shalt  }
0x47: {  	_ =	shalt  }
0x48: {  	_ =	shalt  }
0x49: {  	_ =	shalt  }
0x4a: {  	_ =	shalt  }
0x4b: {  	_ =	shalt  }
0x4c: {  	_ =	shalt  }
0x4d: {  	_ =	shalt  }
0x4e: {  	_ =	shalt  }
0x4f: {  	_ =	shalt  }
0x50: {  	_ =	shalt  }
0x51: {  	_ =	shalt  }
0x52: {  	_ =	shalt  }
0x53: {  	_ =	shalt  }
0x54: {  	_ =	shalt  }
0x55: {  	_ =	shalt  }
0x56: {  	_ =	shalt  }
0x57: {  	_ =	shalt  }
0x58: {  	_ =	shalt  }
0x59: {  	_ =	shalt  }
0x5a: {  	_ =	shalt  }
0x5b: {  	_ =	shalt  }
0x5c: {  	_ =	shalt  }
0x5d: {  	_ =	shalt  }
0x5e: {  	_ =	shalt  }
0x5f: {  	_ =	shalt  }
0x60: {  	_ =	shalt  }
0x61: {  	_ =	shalt  }
0x62: {  	_ =	shalt  }
0x63: {  	_ =	shalt  }
0x64: {  	_ =	shalt  }
0x65: {  	_ =	shalt  }
0x66: {  	_ =	shalt  }
0x67: {  	_ =	shalt  }
0x68: {  	_ =	shalt  }
0x69: {  	_ =	shalt  }
0x6a: {  	_ =	shalt  }
0x6b: {  	_ =	shalt  }
0x6c: {  	_ =	shalt  }
0x6d: {  	_ =	shalt  }
0x6e: {  	_ =	shalt  }
0x6f: {  	_ =	shalt  }
0x70: {  	_ =	shalt  }
0x71: {  	_ =	shalt  }
0x72: {  	_ =	shalt  }
0x73: {  	_ =	shalt  }
0x74: {  	_ =	shalt  }
0x75: {  	_ =	shalt  }
0x76: {  	_ =	shalt  }
0x77: {  	_ =	shalt  }
0x78: {  	_ =	shalt  }
0x79: {  	_ =	shalt  }
0x7a: {  	_ =	shalt  }
0x7b: {  	_ =	shalt  }
0x7c: {  	_ =	shalt  }
0x7d: {  	_ =	shalt  }
0x7e: {  	_ =	shalt  }
0x7f: {  	_ =	shalt  }
0x80: {  	_ =	shalt  }
0x81: {  	_ =	shalt  }
0x82: {  	_ =	shalt  }
0x83: {  	_ =	shalt  }
0x84: {  	_ =	shalt  }
0x85: {  	_ =	shalt  }
0x86: {  	_ =	shalt  }
0x87: {  	_ =	shalt  }
.Lfunc_end0:
.L_simem_size_0:
called_computation_lowered:
.L_overlay_start_0:
0x88: {  	s2 =	sld [smem:$0x3FD9]  }
0x89: {  	s3 =	sld [smem:$0x3FFE];
	_ =	sdelay $0x1  }
0x8a: {  	s1 =	srdreg.scid  }
0x8b: {  	s0 =	sand.u32 $0x1, s1  }
0x8c: {  	s17 =	sshll.u32 s0, $0xA;
	s2 =	sadd.s32 s3, s2  }
0x8d: {  	s2 =	sadd.s32 s2, s17  }
0x8e: {  	[smem:$0x3FC4] =	sst s2  }
0x8f: {  	_ = 	snop  }
0x90: {  	s2 =	sld [smem:$0x3FD0];
	(tm) =	ssettm $0x1  }
0x91: {  	s18 =	sld [smem:$0x3FFB];
	_ =	sdelay $0x3  }
0x92: {  	_ =	strace s18  }
0x93: {  	s3 =	sld [smem:$0x3FFC];
	_ =	sdelay $0x3  }
0x94: {  	_ =	strace s3  }
0x95: {  	s3 =	sld [smem:$0x3FFD];
	_ =	sdelay $0x3  }
0x96: {  	_ =	strace s3  }
0x97: {  	_ =	strace $0x8FFFFFFF  }
0x98: {  	s19 =	sld [smem:$0x3FDB];
	_ =	sdelay $0x1  }
0x99: {  	s4 =	simm.s32 $_scs_section_size  }
0x9a: {  	s5 =	simm.s32 $_size__tile_overlayer_lowered;
	s6 =	simm.s32 $_tile_overlayer_lowered  }
0x9b: {  	s22 =	simm.s32 $0x1BFF;
	s21 =	sshll.u32 s6, $0x1;
	s3 =	sadd.s32 s4, s19  }
0x9c: {  	s7 =	simm.s32 $0x0;
	s20 =	sshll.u32 s5, $0x1;
	s5 =	sadd.s32 s21, s3  }
0x9d: {  	[timem:s7], [sflag:s22] =	dma.local [hbm:s5], s20  }
0x9e: {  	_ =	swait.ge [sflag:s22], s20  }
0x9f: {  	s4 =	ssub.s32 $0x0, s20;
	[sflag:s22] =	ssyncset.done $0x0  }
0xa0: {  	[sflag:s22] =	ssyncadd.s32 s4;
	_ =	sdelay $0x1  }
0xa1: {  	s23 =	simm.s32 $0x1B8B  }
0xa2: {  	_ =	swait.ge [sflag:s23], $0x1  }
0xa3: {  	[sflag:s23] =	ssyncset.done $0x0  }
0xa4: {  	s25 =	simm.s32 $0x1B8E;
	s24 =	sld [smem:$0x3FFE];
	[sflag:s23] =	ssyncadd.s32 $0xFFFFFFFF  }
0xa5: {  	s26 =	simm.s32 $execute0_lowered;
	[smem:$0x3FD2] =	sst s25  }
0xa6: {  	s5 =	sshll.u32 s26, $0x1;
	_ =	strace $0x80000046;
	[dreg:$0x1] =	wrdreg $0xFFFFFFFF  }
0xa7: {  	s28 =	simm.s32 $_size_execute0_lowered;
	s3 =	sadd.s32 s3, s5;
	[dreg:$0x0] =	wrdreg $0x0  }
0xa8: {  	s5 =	sshll.u32 s28, $0x1;
	[dreg:$0x2] =	wrdreg s3  }
0xa9: {  	[dreg:$0x3] =	wrdreg s5  }
0xaa: {  	[dreg:$0x4] =	wrdreg $0xC0  }
0xab: {  	_ =	task [dreg:s7], $0x5FFFF  }
0xac: {  	[dreg:$0x1] =	wrdreg $0xFFFFFFFF  }
0xad: {  	[dreg:$0x0] =	wrdreg $0x60  }
0xae: {  	[dreg:$0x2] =	wrdreg s24  }
0xaf: {  	[dreg:$0x3] =	wrdreg s2  }
0xb0: {  	[dreg:$0x4] =	wrdreg $0x9  }
0xb1: {  	_ =	task.clear_ibuf [dreg:s7], $0x5FFFF;
	_ =	strace $0x90000046  }
0xb2: {  	s29 =	simm.s32 $0x9;
	_ =	strace $0x80000048  }
0xb3: {  	_ =	swait.ge [sflag:s29], $0x1  }
0xb4: {  	[sflag:s29] =	ssyncadd.s32 $0xFFFFFFFF  }
0xb5: {  	_ =	strace $0x90000048  }
0xb6: {  	_ =	sfence  }
0xb7: {  	s30 =	sld [smem:$0x0];
	_ =	sdelay $0x2  }
0xb8: {  	s31 =	sshll.u32 s1, $0xD;
	s1 =	sshrl.u32 s1, $0x2  }
0xb9: {  	s3 =	sand.u32 $0x4000, s31;
	s1 =	sadd.s32 s1, s30  }
0xba: {  	s0 =	sor.u32 s3, s0;
	s1 =	sshll.u32 s1, $0x11  }
0xbb: {  	s0 =	sor.u32 s1, s0  }
0xbc: {  	s0 =	sadd.s32 $0x8F2B, s0  }
0xbd: {  	[sflag:s0] =	ssyncadd.remote.s32 $0x1  }
0xbe: {  	_ =	sfence.sel $0xFFFF  }
0xbf: {  	[dreg:$0x0] =	wrdreg $0xFFFFFFFF;
	(pc) =	sbr.abs _section_cstart, $3  }
0xc0: {  	[dreg:$0x1] =	wrdreg $0xFFFFFFFF  }
0xc1: {  	_ =	task.clear_ibuf [dreg:s7], $0x2FFFF;
	_ =	strace $0x9FFFFFFF  }
0xc2: {  	(tm) =	ssettm $0x7FFFFFFF  }
0xc3: {  	_ =	shalt  }
tec
execute0_lowered:
.L_overlay_start_1:
0x0: {  	(tag) =	ssettag $0x1  }
0x1: {  	s1 =	rddreg [dreg:$0x0];
	s0 =	srdreg.scid  }
0x2: {  	s4 =	stileid.u32;
	s5 =	rddreg [dreg:$0x1];
	s2 =	simm.s32 $0x0  }
0x3: {  	s30 =	simm.s32 $0x400;
	s28 =	simm.s32 $0xB;
	s0 =	sand.u32 $0x1, s0  }
0x4: {  	s3 =	sshll.u32 s4, $0x1;
	[smem:$0x7FF] =	sst s2;
	s9 =	smul.u32 $0x1900000, s4  }
0x5: {  	s14 =	sadd.s32 $0x800, s1;
	s3 =	sor.u32 s0, s3;
	s10 =	smul.u32 $0xC80000, s0  }
0x6: {  	_ =	strace $0x80000047;
	s8 =	ssub.s32 $0x2, s0;
	s6 =	smul.u32 $0x19000, s3  }
0x7: {  	s7 =	smul.u32 $0xC80000, s3;
	s3 =	sadd.s32 $0x64800, s1;
	s26 =	sshrl.u32 s8, $0x1  }
0x8: {  	s1 =	ssub.s32 s8, s26;
	s10 =	sadd.s32 s10, s9;
	s6 =	sshrl.u32 s6, $0x3  }
0x9: {  	s7 =	sshrl.u32 s7, $0x3;
	s12 =	sshrl.u32 s10, $0x3;
	s1 =	smax.u32 s1, $0x1  }
0xa: {  	s19 =	sor.u32 $0x70000, s10;
	s6 =	sadd.s32 s14, s6;
	[smem:$0x7F3] =	sst s1  }
0xb: {  	s20 =	sor.u32 $0x40000, s10;
	s13 =	sadd.s32 s12, s5;
	[smem:$0x7F0] =	sst s6  }
0xc: {  	s7 =	sadd.s32 s5, s7;
	s12 =	simm.s32 $0x100;
	[dreg:$0x3] =	wrdreg s13  }
0xd: {  	s8 =	sshrl.u32 s19, $0x3;
	s19 =	simm.s32 $0x300;
	[dreg:$0xb] =	wrdreg s12  }
0xe: {  	s22 =	sshrl.u32 s20, $0x3;
	s20 =	simm.s32 $0x380;
	[dreg:$0xf] =	wrdreg s19  }
0xf: {  	s9 =	sor.u32 $0x10000, s10;
	s11 =	sadd.s32 $0x18F000, s7;
	[dreg:$0x10] =	wrdreg s20  }
0x10: {  	s15 =	sshrl.u32 s9, $0x3;
	s6 =	sadd.s32 $0x18F800, s7;
	[smem:$0x7F1] =	sst s11  }
0x11: {  	s29 =	simm.s32 $0xC;
	s16 =	sadd.s32 s15, s5;
	[smem:$0x7F2] =	sst s6  }
0x12: {  	s31 =	simm.s32 $0x2;
	s21 =	sadd.s32 s8, s5;
	[dreg:$0x4] =	wrdreg s16  }
0x13: {  	s17 =	sor.u32 $0x60000, s10;
	s23 =	sadd.s32 s22, s5;
	[dreg:$0x6] =	wrdreg s21  }
0x14: {  	s26 =	sor.u32 $0x20000, s10;
	s13 =	simm.s32 $0x180;
	[dreg:$0x7] =	wrdreg s23  }
0x15: {  	s8 =	sshrl.u32 s26, $0x3;
	s26 =	simm.s32 $0x600;
	[dreg:$0xc] =	wrdreg s13  }
0x16: {  	s24 =	sor.u32 $0x50000, s10;
	s12 =	simm.s32 $0x880;
	[dreg:$0x14] =	wrdreg s26  }
0x17: {  	s18 =	sshrl.u32 s17, $0x3;
	s19 =	simm.s32 $0xB80;
	[dreg:$0x18] =	wrdreg s12  }
0x18: {  	s25 =	sshrl.u32 s24, $0x3;
	s20 =	simm.s32 $0xC80;
	[dreg:$0x1e] =	wrdreg s19  }
0x19: {  	s17 =	smul.u32 $0x32000, s4;
	s6 =	sadd.s32 s18, s5;
	[dreg:$0x1f] =	wrdreg s20  }
0x1a: {  	s1 =	simm.s32 $0x3;
	s9 =	sadd.s32 s8, s5;
	[dreg:$0x5] =	wrdreg s6  }
0x1b: {  	s7 =	sor.u32 $0x30000, s10;
	s16 =	simm.s32 $0x200;
	[dreg:$0x9] =	wrdreg s9  }
0x1c: {  	s10 =	smul.u32 $0x320000, s4;
	s18 =	simm.s32 $0x280;
	[dreg:$0xd] =	wrdreg s16  }
0x1d: {  	s15 =	smul.u32 $0x190000, s0;
	s21 =	simm.s32 $0x480;
	[dreg:$0xe] =	wrdreg s18  }
0x1e: {  	s0 =	smul.u32 $0x19000, s0;
	s23 =	simm.s32 $0x500;
	[dreg:$0x11] =	wrdreg s21  }
0x1f: {  	s4 =	simm.s32 $0x0;
	s8 =	simm.s32 $0x700;
	[dreg:$0x12] =	wrdreg s23  }
0x20: {  	s7 =	sshrl.u32 s7, $0x3;
	s13 =	simm.s32 $0x900;
	[dreg:$0x16] =	wrdreg s8  }
0x21: {  	s19 =	simm.s32 $0x1000;
	s26 =	simm.s32 $0xF80;
	[dreg:$0x19] =	wrdreg s13  }
0x22: {  	s20 =	simm.s32 $0xD000;
	s6 =	sadd.s32 s25, s5;
	[smem:$0x7FD] =	sst s26  }
0x23: {  	s11 =	sadd.s32 s7, s5;
	s5 =	sadd.s32 s10, s5;
	[dreg:$0x8] =	wrdreg s6  }
0x24: {  	s0 =	sadd.s32 s0, s17;
	s25 =	simm.s32 $0x580;
	[dreg:$0xa] =	wrdreg s11  }
0x25: {  	s10 =	simm.s32 $0x780;
	s16 =	simm.s32 $0xA00;
	[dreg:$0x13] =	wrdreg s25  }
0x26: {  	s17 =	simm.s32 $0xA80;
	s18 =	simm.s32 $0xB00;
	[dreg:$0x17] =	wrdreg s10  }
0x27: {  	s21 =	simm.s32 $0xD00;
	s23 =	simm.s32 $0xE00;
	[dreg:$0x1b] =	wrdreg s16  }
0x28: {  	s26 =	simm.s32 $0x8;
	s9 =	sadd.s32 s15, s5;
	[dreg:$0x1c] =	wrdreg s17  }
0x29: {  	s22 =	sadd.s32 $0x1000, s0;
	s24 =	sor.u32 $0xC00, s0;
	[dreg:$0x1d] =	wrdreg s18  }
0x2a: {  	s6 =	simm.s32 $0x680;
	s7 =	sor.u32 $0x800, s0;
	[smem:$0x7F8] =	sst s21  }
0x2b: {  	s0 =	sor.u32 $0x400, s0;
	s15 =	simm.s32 $0x980;
	[smem:$0x7FA] =	sst s23  }
0x2c: {  	s16 =	simm.s32 $0x80;
	s17 =	simm.s32 $0x9000;
	[smem:$0x7F4] =	sst s22  }
0x2d: {  	s18 =	simm.s32 $0x5;
	s21 =	simm.s32 $0x6;
	[dreg:$0x15] =	wrdreg s6  }
0x2e: {  	s25 =	simm.s32 $0xF00;
	s23 =	simm.s32 $0x9;
	[dreg:$0x1a] =	wrdreg s15  }
0x2f: {  	s5 =	sshrl.u32 s24, $0x3;
	s22 =	simm.s32 $0xD80;
	[smem:$0x7FC] =	sst s25  }
0x30: {  	s0 =	sshrl.u32 s0, $0x3;
	s24 =	simm.s32 $0xE80;
	[smem:$0x7F9] =	sst s22  }
0x31: {  	s15 =	simm.s32 $0x1;
	s5 =	sadd.s32 s5, s14;
	[smem:$0x7FB] =	sst s24  }
0x32: {  	s0 =	sadd.s32 s0, s14;
	[smem:$0x7F5] =	sst s5;
	s5 =	sshrl.u32 s7, $0x3  }
0x33: {  	s25 =	simm.s32 $0xA;
	[smem:$0x7F7] =	sst s0;
	s11 =	sadd.s32 s5, s14  }
0x34: {  	s22 =	simm.s32 $0x5000;
	s24 =	simm.s32 $0x7;
	[smem:$0x7F6] =	sst s11  }
.LBB2_1:
0x35: {  	s0 =	sld [smem:$0x7F0];
	_ =	sdelay $0x1  }
0x36: {  	[smem:$0x7EF] =	sst s4  }
0x37: {  	[tilespmem:s2], [sflag:$0x1] =	stream.linear.gather [hbm4b:s0+s2], $0x400, $0x38;
	[tilespmem:$0x11000] =	vst v63  }
0x38: {  	_ =	swait.ge [sflag:s15], $0x400  }
0x39: {  	s13 =	sld [smem:$0x7F7]  }
0x3a: {  	p0 =	por $0x0, $0x0;
	[sflag:s15] =	ssyncset.done $0x0  }
0x3b: {  	s6 =	simm.s32 @p0 $0x9;
	[sflag:s15] =	ssyncadd.s32 $0xFFFFFC00  }
0x3c: {  	[tilespmem:s30], [sflag:$0x2] =	stream.linear.gather [hbm4b:s13+s2], $0x400, $0x38;
	[tilespmem:$0x11000] =	vst v63  }
0x3d: {  	_ =	swait.ge @p0 [sflag:s6], $0x4000  }
0x3e: {  	s7 =	simm.s32 @p0 $0x1000;
	s8 =	simm.s32 @p0 $0x80;
	[sflag:s6] =	ssyncset.done @p0 $0x0  }
0x3f: {  	s10 =	simm.s32 @p0 $0x0;
	[sflag:s6] =	ssyncadd.s32 @p0 $0xFFFFC000;
	s6 =	simm.s32 @p0 $0x7  }
0x40: {  	[tilespmem:s7], [sflag:$0x5] =	stream.indirect.gather @p0 [hbm4b:s3+s8], $0x80, s10, s8, $0xb8;
	[tilespmem:$0x11000] =	vst v63  }
0x41: {  	_ =	swait.ge @p0 [sflag:s6], $0x4000  }
0x42: {  	s12 =	simm.s32 @p0 $0x9000;
	s7 =	sadd.s32 @p0 $0x0, s9;
	[sflag:s6] =	ssyncset.done @p0 $0x0  }
0x43: {  	s11 =	sadd.s32 @p0 $0xFFFFF000, s7;
	[sflag:s6] =	ssyncadd.s32 @p0 $0xFFFFC000;
	s6 =	simm.s32 @p0 $0xA  }
0x44: {  	[hbm4b:s11+s10] =	stream.linear.scatter @p0 [tilespmem:s12], [sflag:$0xB], $0x4000, $0x38;
	[tilespmem:$0x11000] =	vst v63  }
0x45: {  	_ =	swait.ge @p0 [sflag:s6], $0x4000  }
0x46: {  	[sflag:s6] =	ssyncset.done @p0 $0x0  }
0x47: {  	s11 =	simm.s32 @p0 $0x5000;
	[sflag:s6] =	ssyncadd.s32 @p0 $0xFFFFC000;
	s6 =	simm.s32 @p0 $0x8  }
0x48: {  	[tilespmem:s11], [sflag:$0x6] =	stream.indirect.gather @p0 [hbm4b:s3+s8], $0x80, s8, s8, $0xb8;
	[tilespmem:$0x11000] =	vst v63  }
0x49: {  	_ =	swait.ge @p0 [sflag:s6], $0x4000  }
0x4a: {  	s7 =	sadd.s32 @p0 $0xFFFFF800, s7;
	[sflag:s6] =	ssyncset.done @p0 $0x0  }
0x4b: {  	s8 =	simm.s32 @p0 $0xD000;
	[sflag:s6] =	ssyncadd.s32 @p0 $0xFFFFC000;
	s6 =	simm.s32 @p0 $0xB  }
0x4c: {  	[hbm4b:s7+s10] =	stream.linear.scatter @p0 [tilespmem:s8], [sflag:$0xC], $0x4000, $0x38;
	[tilespmem:$0x11000] =	vst v63  }
0x4d: {  	_ =	swait.ge @p0 [sflag:s6], $0x4000  }
0x4e: {  	s7 =	simm.s32 @!p0 $0x1000;
	[sflag:s6] =	ssyncset.done @p0 $0x0  }
0x4f: {  	s8 =	simm.s32 @!p0 $0x80;
	s10 =	simm.s32 @!p0 $0x0;
	[sflag:s6] =	ssyncadd.s32 @p0 $0xFFFFC000  }
0x50: {  	[tilespmem:s7], [sflag:$0x5] =	stream.indirect.gather @!p0 [hbm4b:s3+s8], $0x80, s10, s8, $0xb8;
	[tilespmem:$0x11000] =	vst v63  }
0x51: {  	s6 =	simm.s32 @!p0 $0x5000  }
0x52: {  	[tilespmem:s6], [sflag:$0x6] =	stream.indirect.gather @!p0 [hbm4b:s3+s8], $0x80, s8, s8, $0xb8;
	[tilespmem:$0x11000] =	vst v63  }
0x53: {  	s10 =	rddreg [dreg:$0xb]  }
0x54: {  	[tilespmem:s17], [sflag:$0x7] =	stream.indirect.gather [hbm4b:s3+s16], $0x80, s10, s16, $0xb8;
	[tilespmem:$0x11000] =	vst v63  }
0x55: {  	_ =	swait.ge [sflag:s18], $0x4000  }
0x56: {  	p0 =	por $0x1, $0x1;
	s11 =	rddreg [dreg:$0x3];
	[sflag:s18] =	ssyncset.done $0x0  }
0x57: {  	s7 =	simm.s32 @!p0 $0xC;
	[sflag:s18] =	ssyncadd.s32 $0xFFFFC000;
	s6 =	sadd.s32 $0x0, s11  }
0x58: {  	[hbm4b:s6+s2] =	stream.linear.scatter [tilespmem:s19], [sflag:$0x9], $0x4000, $0x38;
	[tilespmem:$0x11000] =	vst v63  }
0x59: {  	_ =	swait.ge @!p0 [sflag:s7], $0x4000  }
0x5a: {  	[sflag:s7] =	ssyncset.done @!p0 $0x0  }
0x5b: {  	s12 =	rddreg [dreg:$0xc];
	[sflag:s7] =	ssyncadd.s32 @!p0 $0xFFFFC000  }
0x5c: {  	[tilespmem:s20], [sflag:$0x8] =	stream.indirect.gather [hbm4b:s3+s16], $0x80, s12, s16, $0xb8;
	[tilespmem:$0x11000] =	vst v63  }
0x5d: {  	_ =	swait.ge [sflag:s21], $0x4000  }
0x5e: {  	s6 =	sadd.s32 $0x0, s9;
	[sflag:s21] =	ssyncset.done $0x0  }
0x5f: {  	s0 =	sadd.s32 $0x800, s6;
	[sflag:s21] =	ssyncadd.s32 $0xFFFFC000  }
0x60: {  	[hbm4b:s0+s2] =	stream.linear.scatter [tilespmem:s22], [sflag:$0xA], $0x4000, $0x38;
	[tilespmem:$0x11000] =	vst v63  }
0x61: {  	_ =	swait.ge [sflag:s23], $0x4000  }
0x62: {  	[sflag:s23] =	ssyncset.done $0x0  }
0x63: {  	s4 =	rddreg [dreg:$0xd];
	[sflag:s23] =	ssyncadd.s32 $0xFFFFC000  }
0x64: {  	[tilespmem:s19], [sflag:$0x5] =	stream.indirect.gather [hbm4b:s3+s16], $0x80, s4, s16, $0xb8;
	[tilespmem:$0x11000] =	vst v63  }
0x65: {  	_ =	swait.ge [sflag:s24], $0x4000  }
0x66: {  	[sflag:s24] =	ssyncset.done $0x0  }
0x67: {  	s5 =	sadd.s32 $0x1000, s6;
	[sflag:s24] =	ssyncadd.s32 $0xFFFFC000  }
0x68: {  	[hbm4b:s5+s2] =	stream.linear.scatter [tilespmem:s17], [sflag:$0xB], $0x4000, $0x38;
	[tilespmem:$0x11000] =	vst v63  }
0x69: {  	_ =	swait.ge [sflag:s25], $0x4000  }
0x6a: {  	[sflag:s25] =	ssyncset.done $0x0  }
0x6b: {  	s8 =	rddreg [dreg:$0xe];
	[sflag:s25] =	ssyncadd.s32 $0xFFFFC000  }
0x6c: {  	[tilespmem:s22], [sflag:$0x6] =	stream.indirect.gather [hbm4b:s3+s16], $0x80, s8, s16, $0xb8;
	[tilespmem:$0x11000] =	vst v63  }
0x6d: {  	_ =	swait.ge [sflag:s26], $0x4000  }
0x6e: {  	[sflag:s26] =	ssyncset.done $0x0  }
0x6f: {  	s10 =	sadd.s32 $0x1800, s6;
	[sflag:s26] =	ssyncadd.s32 $0xFFFFC000  }
0x70: {  	[hbm4b:s10+s2] =	stream.linear.scatter [tilespmem:s20], [sflag:$0xC], $0x4000, $0x38;
	[tilespmem:$0x11000] =	vst v63  }
0x71: {  	_ =	swait.ge [sflag:s28], $0x4000  }
0x72: {  	[sflag:s28] =	ssyncset.done $0x0  }
0x73: {  	s11 =	rddreg [dreg:$0xf];
	[sflag:s28] =	ssyncadd.s32 $0xFFFFC000  }
0x74: {  	[tilespmem:s17], [sflag:$0x7] =	stream.indirect.gather [hbm4b:s3+s16], $0x80, s11, s16, $0xb8;
	[tilespmem:$0x11000] =	vst v63  }
0x75: {  	_ =	swait.ge [sflag:s18], $0x4000  }
0x76: {  	s12 =	rddreg [dreg:$0x4];
	[sflag:s18] =	ssyncset.done $0x0  }
0x77: {  	[sflag:s18] =	ssyncadd.s32 $0xFFFFC000;
	s7 =	sadd.s32 $0x0, s12  }
0x78: {  	[hbm4b:s7+s2] =	stream.linear.scatter [tilespmem:s19], [sflag:$0x9], $0x4000, $0x38;
	[tilespmem:$0x11000] =	vst v63  }
0x79: {  	_ =	swait.ge [sflag:s29], $0x4000  }
0x7a: {  	[sflag:s29] =	ssyncset.done $0x0  }
0x7b: {  	s0 =	rddreg [dreg:$0x10];
	[sflag:s29] =	ssyncadd.s32 $0xFFFFC000  }
0x7c: {  	[tilespmem:s20], [sflag:$0x8] =	stream.indirect.gather [hbm4b:s3+s16], $0x80, s0, s16, $0xb8;
	[tilespmem:$0x11000] =	vst v63  }
0x7d: {  	_ =	swait.ge [sflag:s21], $0x4000  }
0x7e: {  	[sflag:s21] =	ssyncset.done $0x0  }
0x7f: {  	s4 =	sadd.s32 $0x2800, s6;
	[sflag:s21] =	ssyncadd.s32 $0xFFFFC000  }
0x80: {  	[hbm4b:s4+s2] =	stream.linear.scatter [tilespmem:s22], [sflag:$0xA], $0x4000, $0x38;
	[tilespmem:$0x11000] =	vst v63  }
0x81: {  	_ =	swait.ge [sflag:s31], $0x400  }
0x82: {  	s4 =	sld [smem:$0x7F6]  }
0x83: {  	[sflag:s31] =	ssyncset.done $0x0  }
0x84: {  	s8 =	simm.s32 $0x800;
	[sflag:s31] =	ssyncadd.s32 $0xFFFFFC00  }
0x85: {  	[tilespmem:s8], [sflag:$0x3] =	stream.linear.gather [hbm4b:s4+s2], $0x400, $0x38;
	[tilespmem:$0x11000] =	vst v63  }
0x86: {  	_ =	swait.ge [sflag:s23], $0x4000  }
0x87: {  	[sflag:s23] =	ssyncset.done $0x0  }
0x88: {  	[sflag:s23] =	ssyncadd.s32 $0xFFFFC000  }
0x89: {  	[tilespmem:s19], [sflag:$0x5] =	stream.indirect.gather [hbm4b:s3+s16], $0x80, s30, s16, $0xb8;
	[tilespmem:$0x11000] =	vst v63  }
0x8a: {  	_ =	swait.ge [sflag:s24], $0x4000  }
0x8b: {  	[sflag:s24] =	ssyncset.done $0x0  }
0x8c: {  	s5 =	sadd.s32 $0x3000, s6;
	[sflag:s24] =	ssyncadd.s32 $0xFFFFC000  }
0x8d: {  	[hbm4b:s5+s2] =	stream.linear.scatter [tilespmem:s17], [sflag:$0xB], $0x4000, $0x38;
	[tilespmem:$0x11000] =	vst v63  }
0x8e: {  	_ =	swait.ge [sflag:s25], $0x4000  }
0x8f: {  	[sflag:s25] =	ssyncset.done $0x0  }
0x90: {  	s10 =	rddreg [dreg:$0x11];
	[sflag:s25] =	ssyncadd.s32 $0xFFFFC000  }
0x91: {  	[tilespmem:s22], [sflag:$0x6] =	stream.indirect.gather [hbm4b:s3+s16], $0x80, s10, s16, $0xb8;
	[tilespmem:$0x11000] =	vst v63  }
0x92: {  	_ =	swait.ge [sflag:s26], $0x4000  }
0x93: {  	[sflag:s26] =	ssyncset.done $0x0  }
0x94: {  	s11 =	sadd.s32 $0x3800, s6;
	[sflag:s26] =	ssyncadd.s32 $0xFFFFC000  }
0x95: {  	[hbm4b:s11+s2] =	stream.linear.scatter [tilespmem:s20], [sflag:$0xC], $0x4000, $0x38;
	[tilespmem:$0x11000] =	vst v63  }
0x96: {  	_ =	swait.ge [sflag:s28], $0x4000  }
0x97: {  	[sflag:s28] =	ssyncset.done $0x0  }
0x98: {  	s12 =	rddreg [dreg:$0x12];
	[sflag:s28] =	ssyncadd.s32 $0xFFFFC000  }
0x99: {  	[tilespmem:s17], [sflag:$0x7] =	stream.indirect.gather [hbm4b:s3+s16], $0x80, s12, s16, $0xb8;
	[tilespmem:$0x11000] =	vst v63  }
0x9a: {  	_ =	swait.ge [sflag:s18], $0x4000  }
0x9b: {  	s31 =	rddreg [dreg:$0x9];
	[sflag:s18] =	ssyncset.done $0x0  }
0x9c: {  	[sflag:s18] =	ssyncadd.s32 $0xFFFFC000;
	s7 =	sadd.s32 $0x0, s31  }
0x9d: {  	[hbm4b:s7+s2] =	stream.linear.scatter [tilespmem:s19], [sflag:$0x9], $0x4000, $0x38;
	[tilespmem:$0x11000] =	vst v63  }
0x9e: {  	_ =	swait.ge [sflag:s29], $0x4000  }
0x9f: {  	[sflag:s29] =	ssyncset.done $0x0  }
0xa0: {  	s0 =	rddreg [dreg:$0x13];
	[sflag:s29] =	ssyncadd.s32 $0xFFFFC000  }
0xa1: {  	[tilespmem:s20], [sflag:$0x8] =	stream.indirect.gather [hbm4b:s3+s16], $0x80, s0, s16, $0xb8;
	[tilespmem:$0x11000] =	vst v63  }
0xa2: {  	_ =	swait.ge [sflag:s21], $0x4000  }
0xa3: {  	[sflag:s21] =	ssyncset.done $0x0  }
0xa4: {  	s5 =	sadd.s32 $0x4800, s6;
	[sflag:s21] =	ssyncadd.s32 $0xFFFFC000  }
0xa5: {  	[hbm4b:s5+s2] =	stream.linear.scatter [tilespmem:s22], [sflag:$0xA], $0x4000, $0x38;
	[tilespmem:$0x11000] =	vst v63  }
0xa6: {  	_ =	swait.ge [sflag:s23], $0x4000  }
0xa7: {  	[sflag:s23] =	ssyncset.done $0x0  }
0xa8: {  	s10 =	rddreg [dreg:$0x14];
	[sflag:s23] =	ssyncadd.s32 $0xFFFFC000  }
0xa9: {  	[tilespmem:s19], [sflag:$0x5] =	stream.indirect.gather [hbm4b:s3+s16], $0x80, s10, s16, $0xb8;
	[tilespmem:$0x11000] =	vst v63  }
0xaa: {  	_ =	swait.ge [sflag:s24], $0x4000  }
0xab: {  	[sflag:s24] =	ssyncset.done $0x0  }
0xac: {  	s11 =	sadd.s32 $0x5000, s6;
	[sflag:s24] =	ssyncadd.s32 $0xFFFFC000  }
0xad: {  	[hbm4b:s11+s2] =	stream.linear.scatter [tilespmem:s17], [sflag:$0xB], $0x4000, $0x38;
	[tilespmem:$0x11000] =	vst v63  }
0xae: {  	_ =	swait.ge [sflag:s25], $0x4000  }
0xaf: {  	[sflag:s25] =	ssyncset.done $0x0  }
0xb0: {  	s12 =	rddreg [dreg:$0x15];
	[sflag:s25] =	ssyncadd.s32 $0xFFFFC000  }
0xb1: {  	[tilespmem:s22], [sflag:$0x6] =	stream.indirect.gather [hbm4b:s3+s16], $0x80, s12, s16, $0xb8;
	[tilespmem:$0x11000] =	vst v63  }
0xb2: {  	_ =	swait.ge [sflag:s26], $0x4000  }
0xb3: {  	[sflag:s26] =	ssyncset.done $0x0  }
0xb4: {  	s31 =	sadd.s32 $0x5800, s6;
	[sflag:s26] =	ssyncadd.s32 $0xFFFFC000  }
0xb5: {  	[hbm4b:s31+s2] =	stream.linear.scatter [tilespmem:s20], [sflag:$0xC], $0x4000, $0x38;
	[tilespmem:$0x11000] =	vst v63  }
0xb6: {  	_ =	swait.ge [sflag:s28], $0x4000  }
0xb7: {  	[sflag:s28] =	ssyncset.done $0x0  }
0xb8: {  	s0 =	rddreg [dreg:$0x16];
	[sflag:s28] =	ssyncadd.s32 $0xFFFFC000  }
0xb9: {  	[tilespmem:s17], [sflag:$0x7] =	stream.indirect.gather [hbm4b:s3+s16], $0x80, s0, s16, $0xb8;
	[tilespmem:$0x11000] =	vst v63  }
0xba: {  	_ =	swait.ge [sflag:s18], $0x4000  }
0xbb: {  	s5 =	rddreg [dreg:$0xa];
	[sflag:s18] =	ssyncset.done $0x0  }
0xbc: {  	[sflag:s18] =	ssyncadd.s32 $0xFFFFC000;
	s7 =	sadd.s32 $0x0, s5  }
0xbd: {  	[hbm4b:s7+s2] =	stream.linear.scatter [tilespmem:s19], [sflag:$0x9], $0x4000, $0x38;
	[tilespmem:$0x11000] =	vst v63  }
0xbe: {  	_ =	swait.ge [sflag:s29], $0x4000  }
0xbf: {  	[sflag:s29] =	ssyncset.done $0x0  }
0xc0: {  	s10 =	rddreg [dreg:$0x17];
	[sflag:s29] =	ssyncadd.s32 $0xFFFFC000  }
0xc1: {  	[tilespmem:s20], [sflag:$0x8] =	stream.indirect.gather [hbm4b:s3+s16], $0x80, s10, s16, $0xb8;
	[tilespmem:$0x11000] =	vst v63  }
0xc2: {  	_ =	swait.ge [sflag:s21], $0x4000  }
0xc3: {  	[sflag:s21] =	ssyncset.done $0x0  }
0xc4: {  	s11 =	sadd.s32 $0x6800, s6;
	[sflag:s21] =	ssyncadd.s32 $0xFFFFC000  }
0xc5: {  	[hbm4b:s11+s2] =	stream.linear.scatter [tilespmem:s22], [sflag:$0xA], $0x4000, $0x38;
	[tilespmem:$0x11000] =	vst v63  }
0xc6: {  	_ =	swait.ge [sflag:s1], $0x400  }
0xc7: {  	s0 =	sld [smem:$0x7F5]  }
0xc8: {  	[sflag:s1] =	ssyncset.done $0x0  }
0xc9: {  	[sflag:s1] =	ssyncadd.s32 $0xFFFFFC00;
	s1 =	simm.s32 $0xC00  }
0xca: {  	[tilespmem:s1], [sflag:$0x4] =	stream.linear.gather [hbm4b:s0+s2], $0x400, $0x38;
	[tilespmem:$0x11000] =	vst v63  }
0xcb: {  	_ =	swait.ge [sflag:s23], $0x4000  }
0xcc: {  	[sflag:s23] =	ssyncset.done $0x0  }
0xcd: {  	[sflag:s23] =	ssyncadd.s32 $0xFFFFC000  }
0xce: {  	[tilespmem:s19], [sflag:$0x5] =	stream.indirect.gather [hbm4b:s3+s16], $0x80, s8, s16, $0xb8;
	[tilespmem:$0x11000] =	vst v63  }
0xcf: {  	_ =	swait.ge [sflag:s24], $0x4000  }
0xd0: {  	[sflag:s24] =	ssyncset.done $0x0  }
0xd1: {  	s12 =	sadd.s32 $0x7000, s6;
	[sflag:s24] =	ssyncadd.s32 $0xFFFFC000  }
0xd2: {  	[hbm4b:s12+s2] =	stream.linear.scatter [tilespmem:s17], [sflag:$0xB], $0x4000, $0x38;
	[tilespmem:$0x11000] =	vst v63  }
0xd3: {  	_ =	swait.ge [sflag:s25], $0x4000  }
0xd4: {  	[sflag:s25] =	ssyncset.done $0x0  }
0xd5: {  	s31 =	rddreg [dreg:$0x18];
	[sflag:s25] =	ssyncadd.s32 $0xFFFFC000  }
0xd6: {  	[tilespmem:s22], [sflag:$0x6] =	stream.indirect.gather [hbm4b:s3+s16], $0x80, s31, s16, $0xb8;
	[tilespmem:$0x11000] =	vst v63  }
0xd7: {  	_ =	swait.ge [sflag:s26], $0x4000  }
0xd8: {  	[sflag:s26] =	ssyncset.done $0x0  }
0xd9: {  	s5 =	sadd.s32 $0x7800, s6;
	[sflag:s26] =	ssyncadd.s32 $0xFFFFC000  }
0xda: {  	[hbm4b:s5+s2] =	stream.linear.scatter [tilespmem:s20], [sflag:$0xC], $0x4000, $0x38;
	[tilespmem:$0x11000] =	vst v63  }
0xdb: {  	_ =	swait.ge [sflag:s28], $0x4000  }
0xdc: {  	[sflag:s28] =	ssyncset.done $0x0  }
0xdd: {  	s8 =	rddreg [dreg:$0x19];
	[sflag:s28] =	ssyncadd.s32 $0xFFFFC000  }
0xde: {  	[tilespmem:s17], [sflag:$0x7] =	stream.indirect.gather [hbm4b:s3+s16], $0x80, s8, s16, $0xb8;
	[tilespmem:$0x11000] =	vst v63  }
0xdf: {  	_ =	swait.ge [sflag:s18], $0x4000  }
0xe0: {  	s10 =	rddreg [dreg:$0x7];
	[sflag:s18] =	ssyncset.done $0x0  }
0xe1: {  	[sflag:s18] =	ssyncadd.s32 $0xFFFFC000;
	s7 =	sadd.s32 $0x0, s10  }
0xe2: {  	[hbm4b:s7+s2] =	stream.linear.scatter [tilespmem:s19], [sflag:$0x9], $0x4000, $0x38;
	[tilespmem:$0x11000] =	vst v63  }
0xe3: {  	_ =	swait.ge [sflag:s29], $0x4000  }
0xe4: {  	[sflag:s29] =	ssyncset.done $0x0  }
0xe5: {  	s11 =	rddreg [dreg:$0x1a];
	[sflag:s29] =	ssyncadd.s32 $0xFFFFC000  }
0xe6: {  	[tilespmem:s20], [sflag:$0x8] =	stream.indirect.gather [hbm4b:s3+s16], $0x80, s11, s16, $0xb8;
	[tilespmem:$0x11000] =	vst v63  }
0xe7: {  	_ =	swait.ge [sflag:s21], $0x4000  }
0xe8: {  	[sflag:s21] =	ssyncset.done $0x0  }
0xe9: {  	s12 =	sadd.s32 $0x8800, s6;
	[sflag:s21] =	ssyncadd.s32 $0xFFFFC000  }
0xea: {  	[hbm4b:s12+s2] =	stream.linear.scatter [tilespmem:s22], [sflag:$0xA], $0x4000, $0x38;
	[tilespmem:$0x11000] =	vst v63  }
0xeb: {  	_ =	swait.ge [sflag:s23], $0x4000  }
0xec: {  	[sflag:s23] =	ssyncset.done $0x0  }
0xed: {  	s31 =	rddreg [dreg:$0x1b];
	[sflag:s23] =	ssyncadd.s32 $0xFFFFC000  }
0xee: {  	[tilespmem:s19], [sflag:$0x5] =	stream.indirect.gather [hbm4b:s3+s16], $0x80, s31, s16, $0xb8;
	[tilespmem:$0x11000] =	vst v63  }
0xef: {  	_ =	swait.ge [sflag:s24], $0x4000  }
0xf0: {  	[sflag:s24] =	ssyncset.done $0x0  }
0xf1: {  	s5 =	sadd.s32 $0x9000, s6;
	[sflag:s24] =	ssyncadd.s32 $0xFFFFC000  }
0xf2: {  	[hbm4b:s5+s2] =	stream.linear.scatter [tilespmem:s17], [sflag:$0xB], $0x4000, $0x38;
	[tilespmem:$0x11000] =	vst v63  }
0xf3: {  	_ =	swait.ge [sflag:s25], $0x4000  }
0xf4: {  	[sflag:s25] =	ssyncset.done $0x0  }
0xf5: {  	s8 =	rddreg [dreg:$0x1c];
	[sflag:s25] =	ssyncadd.s32 $0xFFFFC000  }
0xf6: {  	[tilespmem:s22], [sflag:$0x6] =	stream.indirect.gather [hbm4b:s3+s16], $0x80, s8, s16, $0xb8;
	[tilespmem:$0x11000] =	vst v63  }
0xf7: {  	_ =	swait.ge [sflag:s26], $0x4000  }
0xf8: {  	[sflag:s26] =	ssyncset.done $0x0  }
0xf9: {  	s10 =	sadd.s32 $0x9800, s6;
	[sflag:s26] =	ssyncadd.s32 $0xFFFFC000  }
0xfa: {  	[hbm4b:s10+s2] =	stream.linear.scatter [tilespmem:s20], [sflag:$0xC], $0x4000, $0x38;
	[tilespmem:$0x11000] =	vst v63  }
0xfb: {  	_ =	swait.ge [sflag:s28], $0x4000  }
0xfc: {  	[sflag:s28] =	ssyncset.done $0x0  }
0xfd: {  	s11 =	rddreg [dreg:$0x1d];
	[sflag:s28] =	ssyncadd.s32 $0xFFFFC000  }
0xfe: {  	[tilespmem:s17], [sflag:$0x7] =	stream.indirect.gather [hbm4b:s3+s16], $0x80, s11, s16, $0xb8;
	[tilespmem:$0x11000] =	vst v63  }
0xff: {  	_ =	swait.ge [sflag:s18], $0x4000  }
0x100: {  	s12 =	rddreg [dreg:$0x8];
	[sflag:s18] =	ssyncset.done $0x0  }
0x101: {  	[sflag:s18] =	ssyncadd.s32 $0xFFFFC000;
	s7 =	sadd.s32 $0x0, s12  }
0x102: {  	[hbm4b:s7+s2] =	stream.linear.scatter [tilespmem:s19], [sflag:$0x9], $0x4000, $0x38;
	[tilespmem:$0x11000] =	vst v63  }
0x103: {  	_ =	swait.ge [sflag:s29], $0x4000  }
0x104: {  	[sflag:s29] =	ssyncset.done $0x0  }
0x105: {  	s31 =	rddreg [dreg:$0x1e];
	[sflag:s29] =	ssyncadd.s32 $0xFFFFC000  }
0x106: {  	[tilespmem:s20], [sflag:$0x8] =	stream.indirect.gather [hbm4b:s3+s16], $0x80, s31, s16, $0xb8;
	[tilespmem:$0x11000] =	vst v63  }
0x107: {  	_ =	swait.ge [sflag:s21], $0x4000  }
0x108: {  	[sflag:s21] =	ssyncset.done $0x0  }
0x109: {  	s5 =	sadd.s32 $0xA800, s6;
	[sflag:s21] =	ssyncadd.s32 $0xFFFFC000  }
0x10a: {  	[hbm4b:s5+s2] =	stream.linear.scatter [tilespmem:s22], [sflag:$0xA], $0x4000, $0x38;
	[tilespmem:$0x11000] =	vst v63  }
0x10b: {  	s5 =	smov.u32 s9;
	s9 =	simm.s32 $0x4  }
0x10c: {  	_ =	swait.ge [sflag:s9], $0x400  }
0x10d: {  	s12 =	sld [smem:$0x7F4];
	_ =	sdelay $0x1  }
0x10e: {  	p0 =	por $0x0, $0x0  }
0x10f: {  	[sflag:s9] =	ssyncset.done $0x0;
	s7 =	sshrl.u32 @!p0 s12, $0x3  }
0x110: {  	s8 =	simm.s32 @!p0 $0x0;
	[sflag:s9] =	ssyncadd.s32 $0xFFFFFC00;
	s7 =	sadd.s32 @!p0 s14, s7  }
0x111: {  	[tilespmem:s8], [sflag:$0x1] =	stream.linear.gather @!p0 [hbm4b:s7+s8], $0x400, $0x38;
	[tilespmem:$0x11000] =	vst v63  }
0x112: {  	_ =	swait.ge [sflag:s23], $0x4000  }
0x113: {  	[sflag:s23] =	ssyncset.done $0x0  }
0x114: {  	[sflag:s23] =	ssyncadd.s32 $0xFFFFC000  }
0x115: {  	[tilespmem:s19], [sflag:$0x5] =	stream.indirect.gather [hbm4b:s3+s16], $0x80, s1, s16, $0xb8;
	[tilespmem:$0x11000] =	vst v63  }
0x116: {  	_ =	swait.ge [sflag:s24], $0x4000  }
0x117: {  	[sflag:s24] =	ssyncset.done $0x0  }
0x118: {  	s8 =	sadd.s32 $0xB000, s6;
	[sflag:s24] =	ssyncadd.s32 $0xFFFFC000  }
0x119: {  	[hbm4b:s8+s2] =	stream.linear.scatter [tilespmem:s17], [sflag:$0xB], $0x4000, $0x38;
	[tilespmem:$0x11000] =	vst v63  }
0x11a: {  	_ =	swait.ge [sflag:s25], $0x4000  }
0x11b: {  	[sflag:s25] =	ssyncset.done $0x0  }
0x11c: {  	s10 =	rddreg [dreg:$0x1f];
	[sflag:s25] =	ssyncadd.s32 $0xFFFFC000  }
0x11d: {  	[tilespmem:s22], [sflag:$0x6] =	stream.indirect.gather [hbm4b:s3+s16], $0x80, s10, s16, $0xb8;
	[tilespmem:$0x11000] =	vst v63  }
0x11e: {  	_ =	swait.ge [sflag:s26], $0x4000  }
0x11f: {  	[sflag:s26] =	ssyncset.done $0x0  }
0x120: {  	s11 =	sadd.s32 $0xB800, s6;
	[sflag:s26] =	ssyncadd.s32 $0xFFFFC000  }
0x121: {  	[hbm4b:s11+s2] =	stream.linear.scatter [tilespmem:s20], [sflag:$0xC], $0x4000, $0x38;
	[tilespmem:$0x11000] =	vst v63  }
0x122: {  	_ =	swait.ge [sflag:s28], $0x4000  }
0x123: {  	s31 =	sld [smem:$0x7F8]  }
0x124: {  	[sflag:s28] =	ssyncset.done $0x0  }
0x125: {  	[sflag:s28] =	ssyncadd.s32 $0xFFFFC000  }
0x126: {  	[tilespmem:s17], [sflag:$0x7] =	stream.indirect.gather [hbm4b:s3+s16], $0x80, s31, s16, $0xb8;
	[tilespmem:$0x11000] =	vst v63  }
0x127: {  	_ =	swait.ge [sflag:s18], $0x4000  }
0x128: {  	s1 =	rddreg [dreg:$0x5];
	[sflag:s18] =	ssyncset.done $0x0  }
0x129: {  	[sflag:s18] =	ssyncadd.s32 $0xFFFFC000;
	s7 =	sadd.s32 $0x0, s1  }
0x12a: {  	[hbm4b:s7+s2] =	stream.linear.scatter [tilespmem:s19], [sflag:$0x9], $0x4000, $0x38;
	[tilespmem:$0x11000] =	vst v63  }
0x12b: {  	_ =	swait.ge [sflag:s29], $0x4000  }
0x12c: {  	s8 =	sld [smem:$0x7F9]  }
0x12d: {  	[sflag:s29] =	ssyncset.done $0x0  }
0x12e: {  	[sflag:s29] =	ssyncadd.s32 $0xFFFFC000  }
0x12f: {  	[tilespmem:s20], [sflag:$0x8] =	stream.indirect.gather [hbm4b:s3+s16], $0x80, s8, s16, $0xb8;
	[tilespmem:$0x11000] =	vst v63  }
0x130: {  	_ =	swait.ge [sflag:s21], $0x4000  }
0x131: {  	[sflag:s21] =	ssyncset.done $0x0  }
0x132: {  	s10 =	sadd.s32 $0xC800, s6;
	[sflag:s21] =	ssyncadd.s32 $0xFFFFC000  }
0x133: {  	[hbm4b:s10+s2] =	stream.linear.scatter [tilespmem:s22], [sflag:$0xA], $0x4000, $0x38;
	[tilespmem:$0x11000] =	vst v63  }
0x134: {  	_ =	swait.ge [sflag:s23], $0x4000  }
0x135: {  	s11 =	sld [smem:$0x7FA]  }
0x136: {  	[sflag:s23] =	ssyncset.done $0x0  }
0x137: {  	[sflag:s23] =	ssyncadd.s32 $0xFFFFC000  }
0x138: {  	[tilespmem:s19], [sflag:$0x5] =	stream.indirect.gather [hbm4b:s3+s16], $0x80, s11, s16, $0xb8;
	[tilespmem:$0x11000] =	vst v63  }
0x139: {  	_ =	swait.ge [sflag:s24], $0x4000  }
0x13a: {  	[sflag:s24] =	ssyncset.done $0x0  }
0x13b: {  	s31 =	sadd.s32 $0xD000, s6;
	[sflag:s24] =	ssyncadd.s32 $0xFFFFC000  }
0x13c: {  	[hbm4b:s31+s2] =	stream.linear.scatter [tilespmem:s17], [sflag:$0xB], $0x4000, $0x38;
	[tilespmem:$0x11000] =	vst v63  }
0x13d: {  	_ =	swait.ge [sflag:s25], $0x4000  }
0x13e: {  	s1 =	sld [smem:$0x7FB]  }
0x13f: {  	[sflag:s25] =	ssyncset.done $0x0  }
0x140: {  	[sflag:s25] =	ssyncadd.s32 $0xFFFFC000  }
0x141: {  	[tilespmem:s22], [sflag:$0x6] =	stream.indirect.gather [hbm4b:s3+s16], $0x80, s1, s16, $0xb8;
	[tilespmem:$0x11000] =	vst v63  }
0x142: {  	_ =	swait.ge [sflag:s26], $0x4000  }
0x143: {  	[sflag:s26] =	ssyncset.done $0x0  }
0x144: {  	s8 =	sadd.s32 $0xD800, s6;
	[sflag:s26] =	ssyncadd.s32 $0xFFFFC000  }
0x145: {  	[hbm4b:s8+s2] =	stream.linear.scatter [tilespmem:s20], [sflag:$0xC], $0x4000, $0x38;
	[tilespmem:$0x11000] =	vst v63  }
0x146: {  	_ =	swait.ge [sflag:s28], $0x4000  }
0x147: {  	s10 =	sld [smem:$0x7FC]  }
0x148: {  	[sflag:s28] =	ssyncset.done $0x0  }
0x149: {  	[sflag:s28] =	ssyncadd.s32 $0xFFFFC000  }
0x14a: {  	[tilespmem:s17], [sflag:$0x7] =	stream.indirect.gather [hbm4b:s3+s16], $0x80, s10, s16, $0xb8;
	[tilespmem:$0x11000] =	vst v63  }
0x14b: {  	_ =	swait.ge [sflag:s18], $0x4000  }
0x14c: {  	s11 =	rddreg [dreg:$0x6];
	[sflag:s18] =	ssyncset.done $0x0  }
0x14d: {  	[sflag:s18] =	ssyncadd.s32 $0xFFFFC000;
	s7 =	sadd.s32 $0x0, s11  }
0x14e: {  	[hbm4b:s7+s2] =	stream.linear.scatter [tilespmem:s19], [sflag:$0x9], $0x4000, $0x38;
	[tilespmem:$0x11000] =	vst v63  }
0x14f: {  	_ =	swait.ge [sflag:s29], $0x4000  }
0x150: {  	s31 =	sld [smem:$0x7FD]  }
0x151: {  	[sflag:s29] =	ssyncset.done $0x0  }
0x152: {  	s6 =	sadd.s32 $0xE800, s6;
	[sflag:s29] =	ssyncadd.s32 $0xFFFFC000  }
0x153: {  	[tilespmem:s20], [sflag:$0x8] =	stream.indirect.gather [hbm4b:s3+s16], $0x80, s31, s16, $0xb8;
	[tilespmem:$0x11000] =	vst v63  }
0x154: {  	s8 =	sadd.s32 $0x200, s4;
	s10 =	sadd.s32 $0x200, s0;
	_ =	swait.ge [sflag:s21], $0x4000  }
0x155: {  	s11 =	sadd.s32 $0x200, s13;
	s7 =	simm.s32 $0x10000;
	[sflag:s21] =	ssyncset.done $0x0  }
.LBB2_2:
0x156: {  	[sflag:s21] =	ssyncadd.s32 $0xFFFFC000  }
0x157: {  	[hbm4b:s6+s2] =	stream.linear.scatter [tilespmem:s22], [sflag:$0xA], $0x4000, $0x38;
	[tilespmem:$0x11000] =	vst v63  }
0x158: {  	s13 =	smov.u32 s7;
	_ =	swait.ge [sflag:s15], $0x400  }
0x159: {  	p1 =	sne.s32 s13, $0x0;
	[sflag:s15] =	ssyncset.done $0x0  }
0x15a: {  	s6 =	simm.s32 @p1 $0x9;
	[sflag:s15] =	ssyncadd.s32 $0xFFFFFC00  }
0x15b: {  	[tilespmem:s30], [sflag:$0x2] =	stream.linear.gather [hbm4b:s11+s2], $0x400, $0x38;
	[tilespmem:$0x11000] =	vst v63  }
0x15c: {  	s0 =	simm.s32 @p1 $0x80;
	_ =	swait.ge @p1 [sflag:s6], $0x4000  }
0x15d: {  	s15 =	simm.s32 @p1 $0x1000;
	s30 =	smov.u32 s14;
	[sflag:s6] =	ssyncset.done @p1 $0x0  }
0x15e: {  	s14 =	simm.s32 @p1 $0x0;
	[sflag:s6] =	ssyncadd.s32 @p1 $0xFFFFC000;
	s6 =	simm.s32 @p1 $0x7  }
0x15f: {  	[tilespmem:s15], [sflag:$0x5] =	stream.indirect.gather @p1 [hbm4b:s3+s0], $0x80, s14, s0, $0xb8;
	[tilespmem:$0x11000] =	vst v63  }
0x160: {  	s4 =	sadd.s32 @p1 s13, s5;
	_ =	swait.ge @p1 [sflag:s6], $0x4000  }
0x161: {  	s31 =	sadd.s32 @p1 $0xFFFFF000, s4;
	[sflag:s6] =	ssyncset.done @p1 $0x0  }
0x162: {  	s15 =	simm.s32 @p1 $0x9000;
	[sflag:s6] =	ssyncadd.s32 @p1 $0xFFFFC000;
	s6 =	simm.s32 @p1 $0xA  }
0x163: {  	[hbm4b:s31+s14] =	stream.linear.scatter @p1 [tilespmem:s15], [sflag:$0xB], $0x4000, $0x38;
	[tilespmem:$0x11000] =	vst v63  }
0x164: {  	_ =	swait.ge @p1 [sflag:s6], $0x4000  }
0x165: {  	[sflag:s6] =	ssyncset.done @p1 $0x0  }
0x166: {  	s15 =	simm.s32 @p1 $0x5000;
	[sflag:s6] =	ssyncadd.s32 @p1 $0xFFFFC000;
	s6 =	simm.s32 @p1 $0x8  }
0x167: {  	[tilespmem:s15], [sflag:$0x6] =	stream.indirect.gather @p1 [hbm4b:s3+s0], $0x80, s0, s0, $0xb8;
	[tilespmem:$0x11000] =	vst v63  }
0x168: {  	_ =	swait.ge @p1 [sflag:s6], $0x4000  }
0x169: {  	s4 =	sadd.s32 @p1 $0xFFFFF800, s4;
	[sflag:s6] =	ssyncset.done @p1 $0x0  }
0x16a: {  	s0 =	simm.s32 @p1 $0xD000;
	[sflag:s6] =	ssyncadd.s32 @p1 $0xFFFFC000;
	s6 =	simm.s32 @p1 $0xB  }
0x16b: {  	[hbm4b:s4+s14] =	stream.linear.scatter @p1 [tilespmem:s0], [sflag:$0xC], $0x4000, $0x38;
	[tilespmem:$0x11000] =	vst v63  }
0x16c: {  	_ =	swait.ge @p1 [sflag:s6], $0x4000  }
0x16d: {  	s0 =	simm.s32 @!p1 $0x1000;
	[sflag:s6] =	ssyncset.done @p1 $0x0  }
0x16e: {  	s4 =	simm.s32 @!p1 $0x80;
	s14 =	simm.s32 @!p1 $0x0;
	[sflag:s6] =	ssyncadd.s32 @p1 $0xFFFFC000  }
0x16f: {  	[tilespmem:s0], [sflag:$0x5] =	stream.indirect.gather @!p1 [hbm4b:s3+s4], $0x80, s14, s4, $0xb8;
	[tilespmem:$0x11000] =	vst v63  }
0x170: {  	s6 =	simm.s32 @!p1 $0x5000  }
0x171: {  	[tilespmem:s6], [sflag:$0x6] =	stream.indirect.gather @!p1 [hbm4b:s3+s4], $0x80, s4, s4, $0xb8;
	[tilespmem:$0x11000] =	vst v63  }
0x172: {  	s1 =	rddreg [dreg:$0xb]  }
0x173: {  	[tilespmem:s17], [sflag:$0x7] =	stream.indirect.gather [hbm4b:s3+s16], $0x80, s1, s16, $0xb8;
	[tilespmem:$0x11000] =	vst v63  }
0x174: {  	_ =	swait.ge [sflag:s18], $0x4000  }
0x175: {  	p1 =	seq.s32 s13, $0x0;
	s6 =	rddreg [dreg:$0x3];
	[sflag:s18] =	ssyncset.done $0x0  }
0x176: {  	s4 =	simm.s32 @!p1 $0xC;
	[sflag:s18] =	ssyncadd.s32 $0xFFFFC000;
	s0 =	sadd.s32 s13, s6  }
0x177: {  	[hbm4b:s0+s2] =	stream.linear.scatter [tilespmem:s19], [sflag:$0x9], $0x4000, $0x38;
	[tilespmem:$0x11000] =	vst v63  }
0x178: {  	_ =	swait.ge @!p1 [sflag:s4], $0x4000  }
0x179: {  	[sflag:s4] =	ssyncset.done @!p1 $0x0  }
0x17a: {  	s1 =	rddreg [dreg:$0xc];
	[sflag:s4] =	ssyncadd.s32 @!p1 $0xFFFFC000  }
0x17b: {  	[tilespmem:s20], [sflag:$0x8] =	stream.indirect.gather [hbm4b:s3+s16], $0x80, s1, s16, $0xb8;
	[tilespmem:$0x11000] =	vst v63  }
0x17c: {  	_ =	swait.ge [sflag:s21], $0x4000  }
0x17d: {  	s6 =	sadd.s32 s13, s5;
	[sflag:s21] =	ssyncset.done $0x0  }
0x17e: {  	s4 =	sadd.s32 $0x800, s6;
	[sflag:s21] =	ssyncadd.s32 $0xFFFFC000  }
0x17f: {  	[hbm4b:s4+s2] =	stream.linear.scatter [tilespmem:s22], [sflag:$0xA], $0x4000, $0x38;
	[tilespmem:$0x11000] =	vst v63  }
0x180: {  	_ =	swait.ge [sflag:s23], $0x4000  }
0x181: {  	[sflag:s23] =	ssyncset.done $0x0  }
0x182: {  	s1 =	rddreg [dreg:$0xd];
	[sflag:s23] =	ssyncadd.s32 $0xFFFFC000  }
0x183: {  	[tilespmem:s19], [sflag:$0x5] =	stream.indirect.gather [hbm4b:s3+s16], $0x80, s1, s16, $0xb8;
	[tilespmem:$0x11000] =	vst v63  }
0x184: {  	_ =	swait.ge [sflag:s24], $0x4000  }
0x185: {  	[sflag:s24] =	ssyncset.done $0x0  }
0x186: {  	s4 =	sadd.s32 $0x1000, s6;
	[sflag:s24] =	ssyncadd.s32 $0xFFFFC000  }
0x187: {  	[hbm4b:s4+s2] =	stream.linear.scatter [tilespmem:s17], [sflag:$0xB], $0x4000, $0x38;
	[tilespmem:$0x11000] =	vst v63  }
0x188: {  	_ =	swait.ge [sflag:s25], $0x4000  }
0x189: {  	[sflag:s25] =	ssyncset.done $0x0  }
0x18a: {  	s1 =	rddreg [dreg:$0xe];
	[sflag:s25] =	ssyncadd.s32 $0xFFFFC000  }
0x18b: {  	[tilespmem:s22], [sflag:$0x6] =	stream.indirect.gather [hbm4b:s3+s16], $0x80, s1, s16, $0xb8;
	[tilespmem:$0x11000] =	vst v63  }
0x18c: {  	_ =	swait.ge [sflag:s26], $0x4000  }
0x18d: {  	[sflag:s26] =	ssyncset.done $0x0  }
0x18e: {  	s4 =	sadd.s32 $0x1800, s6;
	[sflag:s26] =	ssyncadd.s32 $0xFFFFC000  }
0x18f: {  	[hbm4b:s4+s2] =	stream.linear.scatter [tilespmem:s20], [sflag:$0xC], $0x4000, $0x38;
	[tilespmem:$0x11000] =	vst v63  }
0x190: {  	_ =	swait.ge [sflag:s28], $0x4000  }
0x191: {  	[sflag:s28] =	ssyncset.done $0x0  }
0x192: {  	s1 =	rddreg [dreg:$0xf];
	[sflag:s28] =	ssyncadd.s32 $0xFFFFC000  }
0x193: {  	[tilespmem:s17], [sflag:$0x7] =	stream.indirect.gather [hbm4b:s3+s16], $0x80, s1, s16, $0xb8;
	[tilespmem:$0x11000] =	vst v63  }
0x194: {  	_ =	swait.ge [sflag:s18], $0x4000  }
0x195: {  	s4 =	rddreg [dreg:$0x4];
	[sflag:s18] =	ssyncset.done $0x0  }
0x196: {  	[sflag:s18] =	ssyncadd.s32 $0xFFFFC000;
	s0 =	sadd.s32 s13, s4  }
0x197: {  	[hbm4b:s0+s2] =	stream.linear.scatter [tilespmem:s19], [sflag:$0x9], $0x4000, $0x38;
	[tilespmem:$0x11000] =	vst v63  }
0x198: {  	_ =	swait.ge [sflag:s29], $0x4000  }
0x199: {  	[sflag:s29] =	ssyncset.done $0x0  }
0x19a: {  	s1 =	rddreg [dreg:$0x10];
	[sflag:s29] =	ssyncadd.s32 $0xFFFFC000  }
0x19b: {  	[tilespmem:s20], [sflag:$0x8] =	stream.indirect.gather [hbm4b:s3+s16], $0x80, s1, s16, $0xb8;
	[tilespmem:$0x11000] =	vst v63  }
0x19c: {  	_ =	swait.ge [sflag:s21], $0x4000  }
0x19d: {  	[sflag:s21] =	ssyncset.done $0x0  }
0x19e: {  	s31 =	simm.s32 $0x2;
	s4 =	sadd.s32 $0x2800, s6;
	[sflag:s21] =	ssyncadd.s32 $0xFFFFC000  }
0x19f: {  	[hbm4b:s4+s2] =	stream.linear.scatter [tilespmem:s22], [sflag:$0xA], $0x4000, $0x38;
	[tilespmem:$0x11000] =	vst v63  }
0x1a0: {  	_ =	swait.ge [sflag:s31], $0x400  }
0x1a1: {  	[sflag:s31] =	ssyncset.done $0x0  }
0x1a2: {  	s4 =	simm.s32 $0x800;
	[sflag:s31] =	ssyncadd.s32 $0xFFFFFC00  }
0x1a3: {  	[tilespmem:s4], [sflag:$0x3] =	stream.linear.gather [hbm4b:s8+s2], $0x400, $0x38;
	[tilespmem:$0x11000] =	vst v63  }
0x1a4: {  	_ =	swait.ge [sflag:s23], $0x4000  }
0x1a5: {  	[sflag:s23] =	ssyncset.done $0x0  }
0x1a6: {  	s14 =	smov.u32 s30;
	s30 =	simm.s32 $0x400;
	[sflag:s23] =	ssyncadd.s32 $0xFFFFC000  }
0x1a7: {  	[tilespmem:s19], [sflag:$0x5] =	stream.indirect.gather [hbm4b:s3+s16], $0x80, s30, s16, $0xb8;
	[tilespmem:$0x11000] =	vst v63  }
0x1a8: {  	_ =	swait.ge [sflag:s24], $0x4000  }
0x1a9: {  	[sflag:s24] =	ssyncset.done $0x0  }
0x1aa: {  	s1 =	sadd.s32 $0x3000, s6;
	[sflag:s24] =	ssyncadd.s32 $0xFFFFC000  }
0x1ab: {  	[hbm4b:s1+s2] =	stream.linear.scatter [tilespmem:s17], [sflag:$0xB], $0x4000, $0x38;
	[tilespmem:$0x11000] =	vst v63  }
0x1ac: {  	_ =	swait.ge [sflag:s25], $0x4000  }
0x1ad: {  	[sflag:s25] =	ssyncset.done $0x0  }
0x1ae: {  	s1 =	rddreg [dreg:$0x11];
	[sflag:s25] =	ssyncadd.s32 $0xFFFFC000  }
0x1af: {  	[tilespmem:s22], [sflag:$0x6] =	stream.indirect.gather [hbm4b:s3+s16], $0x80, s1, s16, $0xb8;
	[tilespmem:$0x11000] =	vst v63  }
0x1b0: {  	_ =	swait.ge [sflag:s26], $0x4000  }
0x1b1: {  	[sflag:s26] =	ssyncset.done $0x0  }
0x1b2: {  	s1 =	sadd.s32 $0x3800, s6;
	[sflag:s26] =	ssyncadd.s32 $0xFFFFC000  }
0x1b3: {  	[hbm4b:s1+s2] =	stream.linear.scatter [tilespmem:s20], [sflag:$0xC], $0x4000, $0x38;
	[tilespmem:$0x11000] =	vst v63  }
0x1b4: {  	_ =	swait.ge [sflag:s28], $0x4000  }
0x1b5: {  	[sflag:s28] =	ssyncset.done $0x0  }
0x1b6: {  	s1 =	rddreg [dreg:$0x12];
	[sflag:s28] =	ssyncadd.s32 $0xFFFFC000  }
0x1b7: {  	[tilespmem:s17], [sflag:$0x7] =	stream.indirect.gather [hbm4b:s3+s16], $0x80, s1, s16, $0xb8;
	[tilespmem:$0x11000] =	vst v63  }
0x1b8: {  	_ =	swait.ge [sflag:s18], $0x4000  }
0x1b9: {  	s1 =	rddreg [dreg:$0x9];
	[sflag:s18] =	ssyncset.done $0x0  }
0x1ba: {  	[sflag:s18] =	ssyncadd.s32 $0xFFFFC000;
	s0 =	sadd.s32 s13, s1  }
0x1bb: {  	[hbm4b:s0+s2] =	stream.linear.scatter [tilespmem:s19], [sflag:$0x9], $0x4000, $0x38;
	[tilespmem:$0x11000] =	vst v63  }
0x1bc: {  	_ =	swait.ge [sflag:s29], $0x4000  }
0x1bd: {  	[sflag:s29] =	ssyncset.done $0x0  }
0x1be: {  	s1 =	rddreg [dreg:$0x13];
	[sflag:s29] =	ssyncadd.s32 $0xFFFFC000  }
0x1bf: {  	[tilespmem:s20], [sflag:$0x8] =	stream.indirect.gather [hbm4b:s3+s16], $0x80, s1, s16, $0xb8;
	[tilespmem:$0x11000] =	vst v63  }
0x1c0: {  	_ =	swait.ge [sflag:s21], $0x4000  }
0x1c1: {  	[sflag:s21] =	ssyncset.done $0x0  }
0x1c2: {  	s1 =	sadd.s32 $0x4800, s6;
	[sflag:s21] =	ssyncadd.s32 $0xFFFFC000  }
0x1c3: {  	[hbm4b:s1+s2] =	stream.linear.scatter [tilespmem:s22], [sflag:$0xA], $0x4000, $0x38;
	[tilespmem:$0x11000] =	vst v63  }
0x1c4: {  	_ =	swait.ge [sflag:s23], $0x4000  }
0x1c5: {  	[sflag:s23] =	ssyncset.done $0x0  }
0x1c6: {  	s1 =	rddreg [dreg:$0x14];
	[sflag:s23] =	ssyncadd.s32 $0xFFFFC000  }
0x1c7: {  	[tilespmem:s19], [sflag:$0x5] =	stream.indirect.gather [hbm4b:s3+s16], $0x80, s1, s16, $0xb8;
	[tilespmem:$0x11000] =	vst v63  }
0x1c8: {  	_ =	swait.ge [sflag:s24], $0x4000  }
0x1c9: {  	[sflag:s24] =	ssyncset.done $0x0  }
0x1ca: {  	s1 =	sadd.s32 $0x5000, s6;
	[sflag:s24] =	ssyncadd.s32 $0xFFFFC000  }
0x1cb: {  	[hbm4b:s1+s2] =	stream.linear.scatter [tilespmem:s17], [sflag:$0xB], $0x4000, $0x38;
	[tilespmem:$0x11000] =	vst v63  }
0x1cc: {  	_ =	swait.ge [sflag:s25], $0x4000  }
0x1cd: {  	[sflag:s25] =	ssyncset.done $0x0  }
0x1ce: {  	s1 =	rddreg [dreg:$0x15];
	[sflag:s25] =	ssyncadd.s32 $0xFFFFC000  }
0x1cf: {  	[tilespmem:s22], [sflag:$0x6] =	stream.indirect.gather [hbm4b:s3+s16], $0x80, s1, s16, $0xb8;
	[tilespmem:$0x11000] =	vst v63  }
0x1d0: {  	_ =	swait.ge [sflag:s26], $0x4000  }
0x1d1: {  	[sflag:s26] =	ssyncset.done $0x0  }
0x1d2: {  	s1 =	sadd.s32 $0x5800, s6;
	[sflag:s26] =	ssyncadd.s32 $0xFFFFC000  }
0x1d3: {  	[hbm4b:s1+s2] =	stream.linear.scatter [tilespmem:s20], [sflag:$0xC], $0x4000, $0x38;
	[tilespmem:$0x11000] =	vst v63  }
0x1d4: {  	_ =	swait.ge [sflag:s28], $0x4000  }
0x1d5: {  	[sflag:s28] =	ssyncset.done $0x0  }
0x1d6: {  	s1 =	rddreg [dreg:$0x16];
	[sflag:s28] =	ssyncadd.s32 $0xFFFFC000  }
0x1d7: {  	[tilespmem:s17], [sflag:$0x7] =	stream.indirect.gather [hbm4b:s3+s16], $0x80, s1, s16, $0xb8;
	[tilespmem:$0x11000] =	vst v63  }
0x1d8: {  	_ =	swait.ge [sflag:s18], $0x4000  }
0x1d9: {  	s1 =	rddreg [dreg:$0xa];
	[sflag:s18] =	ssyncset.done $0x0  }
0x1da: {  	[sflag:s18] =	ssyncadd.s32 $0xFFFFC000;
	s0 =	sadd.s32 s13, s1  }
0x1db: {  	[hbm4b:s0+s2] =	stream.linear.scatter [tilespmem:s19], [sflag:$0x9], $0x4000, $0x38;
	[tilespmem:$0x11000] =	vst v63  }
0x1dc: {  	_ =	swait.ge [sflag:s29], $0x4000  }
0x1dd: {  	[sflag:s29] =	ssyncset.done $0x0  }
0x1de: {  	s1 =	rddreg [dreg:$0x17];
	[sflag:s29] =	ssyncadd.s32 $0xFFFFC000  }
0x1df: {  	[tilespmem:s20], [sflag:$0x8] =	stream.indirect.gather [hbm4b:s3+s16], $0x80, s1, s16, $0xb8;
	[tilespmem:$0x11000] =	vst v63  }
0x1e0: {  	_ =	swait.ge [sflag:s21], $0x4000  }
0x1e1: {  	[sflag:s21] =	ssyncset.done $0x0  }
0x1e2: {  	s1 =	sadd.s32 $0x6800, s6;
	[sflag:s21] =	ssyncadd.s32 $0xFFFFC000  }
0x1e3: {  	[hbm4b:s1+s2] =	stream.linear.scatter [tilespmem:s22], [sflag:$0xA], $0x4000, $0x38;
	[tilespmem:$0x11000] =	vst v63  }
0x1e4: {  	s1 =	simm.s32 $0x3  }
0x1e5: {  	_ =	swait.ge [sflag:s1], $0x400  }
0x1e6: {  	[sflag:s1] =	ssyncset.done $0x0  }
0x1e7: {  	[sflag:s1] =	ssyncadd.s32 $0xFFFFFC00;
	s1 =	simm.s32 $0xC00  }
0x1e8: {  	[tilespmem:s1], [sflag:$0x4] =	stream.linear.gather [hbm4b:s10+s2], $0x400, $0x38;
	[tilespmem:$0x11000] =	vst v63  }
0x1e9: {  	_ =	swait.ge [sflag:s23], $0x4000  }
0x1ea: {  	[sflag:s23] =	ssyncset.done $0x0  }
0x1eb: {  	[sflag:s23] =	ssyncadd.s32 $0xFFFFC000  }
0x1ec: {  	[tilespmem:s19], [sflag:$0x5] =	stream.indirect.gather [hbm4b:s3+s16], $0x80, s4, s16, $0xb8;
	[tilespmem:$0x11000] =	vst v63  }
0x1ed: {  	_ =	swait.ge [sflag:s24], $0x4000  }
0x1ee: {  	[sflag:s24] =	ssyncset.done $0x0  }
0x1ef: {  	s4 =	sadd.s32 $0x7000, s6;
	[sflag:s24] =	ssyncadd.s32 $0xFFFFC000  }
0x1f0: {  	[hbm4b:s4+s2] =	stream.linear.scatter [tilespmem:s17], [sflag:$0xB], $0x4000, $0x38;
	[tilespmem:$0x11000] =	vst v63  }
0x1f1: {  	_ =	swait.ge [sflag:s25], $0x4000  }
0x1f2: {  	[sflag:s25] =	ssyncset.done $0x0  }
0x1f3: {  	s4 =	rddreg [dreg:$0x18];
	[sflag:s25] =	ssyncadd.s32 $0xFFFFC000  }
0x1f4: {  	[tilespmem:s22], [sflag:$0x6] =	stream.indirect.gather [hbm4b:s3+s16], $0x80, s4, s16, $0xb8;
	[tilespmem:$0x11000] =	vst v63  }
0x1f5: {  	_ =	swait.ge [sflag:s26], $0x4000  }
0x1f6: {  	[sflag:s26] =	ssyncset.done $0x0  }
0x1f7: {  	s4 =	sadd.s32 $0x7800, s6;
	[sflag:s26] =	ssyncadd.s32 $0xFFFFC000  }
0x1f8: {  	[hbm4b:s4+s2] =	stream.linear.scatter [tilespmem:s20], [sflag:$0xC], $0x4000, $0x38;
	[tilespmem:$0x11000] =	vst v63  }
0x1f9: {  	_ =	swait.ge [sflag:s28], $0x4000  }
0x1fa: {  	[sflag:s28] =	ssyncset.done $0x0  }
0x1fb: {  	s4 =	rddreg [dreg:$0x19];
	[sflag:s28] =	ssyncadd.s32 $0xFFFFC000  }
0x1fc: {  	[tilespmem:s17], [sflag:$0x7] =	stream.indirect.gather [hbm4b:s3+s16], $0x80, s4, s16, $0xb8;
	[tilespmem:$0x11000] =	vst v63  }
0x1fd: {  	_ =	swait.ge [sflag:s18], $0x4000  }
0x1fe: {  	s4 =	rddreg [dreg:$0x7];
	[sflag:s18] =	ssyncset.done $0x0  }
0x1ff: {  	[sflag:s18] =	ssyncadd.s32 $0xFFFFC000;
	s0 =	sadd.s32 s13, s4  }
0x200: {  	[hbm4b:s0+s2] =	stream.linear.scatter [tilespmem:s19], [sflag:$0x9], $0x4000, $0x38;
	[tilespmem:$0x11000] =	vst v63  }
0x201: {  	_ =	swait.ge [sflag:s29], $0x4000  }
0x202: {  	[sflag:s29] =	ssyncset.done $0x0  }
0x203: {  	s4 =	rddreg [dreg:$0x1a];
	[sflag:s29] =	ssyncadd.s32 $0xFFFFC000  }
0x204: {  	[tilespmem:s20], [sflag:$0x8] =	stream.indirect.gather [hbm4b:s3+s16], $0x80, s4, s16, $0xb8;
	[tilespmem:$0x11000] =	vst v63  }
0x205: {  	_ =	swait.ge [sflag:s21], $0x4000  }
0x206: {  	[sflag:s21] =	ssyncset.done $0x0  }
0x207: {  	s4 =	sadd.s32 $0x8800, s6;
	[sflag:s21] =	ssyncadd.s32 $0xFFFFC000  }
0x208: {  	[hbm4b:s4+s2] =	stream.linear.scatter [tilespmem:s22], [sflag:$0xA], $0x4000, $0x38;
	[tilespmem:$0x11000] =	vst v63  }
0x209: {  	_ =	swait.ge [sflag:s23], $0x4000  }
0x20a: {  	[sflag:s23] =	ssyncset.done $0x0  }
0x20b: {  	s4 =	rddreg [dreg:$0x1b];
	[sflag:s23] =	ssyncadd.s32 $0xFFFFC000  }
0x20c: {  	[tilespmem:s19], [sflag:$0x5] =	stream.indirect.gather [hbm4b:s3+s16], $0x80, s4, s16, $0xb8;
	[tilespmem:$0x11000] =	vst v63  }
0x20d: {  	_ =	swait.ge [sflag:s24], $0x4000  }
0x20e: {  	[sflag:s24] =	ssyncset.done $0x0  }
0x20f: {  	s4 =	sadd.s32 $0x9000, s6;
	[sflag:s24] =	ssyncadd.s32 $0xFFFFC000  }
0x210: {  	[hbm4b:s4+s2] =	stream.linear.scatter [tilespmem:s17], [sflag:$0xB], $0x4000, $0x38;
	[tilespmem:$0x11000] =	vst v63  }
0x211: {  	_ =	swait.ge [sflag:s25], $0x4000  }
0x212: {  	[sflag:s25] =	ssyncset.done $0x0  }
0x213: {  	s4 =	rddreg [dreg:$0x1c];
	[sflag:s25] =	ssyncadd.s32 $0xFFFFC000  }
0x214: {  	[tilespmem:s22], [sflag:$0x6] =	stream.indirect.gather [hbm4b:s3+s16], $0x80, s4, s16, $0xb8;
	[tilespmem:$0x11000] =	vst v63  }
0x215: {  	_ =	swait.ge [sflag:s26], $0x4000  }
0x216: {  	[sflag:s26] =	ssyncset.done $0x0  }
0x217: {  	s4 =	sadd.s32 $0x9800, s6;
	[sflag:s26] =	ssyncadd.s32 $0xFFFFC000  }
0x218: {  	[hbm4b:s4+s2] =	stream.linear.scatter [tilespmem:s20], [sflag:$0xC], $0x4000, $0x38;
	[tilespmem:$0x11000] =	vst v63  }
0x219: {  	_ =	swait.ge [sflag:s28], $0x4000  }
0x21a: {  	[sflag:s28] =	ssyncset.done $0x0  }
0x21b: {  	s4 =	rddreg [dreg:$0x1d];
	[sflag:s28] =	ssyncadd.s32 $0xFFFFC000  }
0x21c: {  	[tilespmem:s17], [sflag:$0x7] =	stream.indirect.gather [hbm4b:s3+s16], $0x80, s4, s16, $0xb8;
	[tilespmem:$0x11000] =	vst v63  }
0x21d: {  	_ =	swait.ge [sflag:s18], $0x4000  }
0x21e: {  	s4 =	rddreg [dreg:$0x8];
	[sflag:s18] =	ssyncset.done $0x0  }
0x21f: {  	[sflag:s18] =	ssyncadd.s32 $0xFFFFC000;
	s0 =	sadd.s32 s13, s4  }
0x220: {  	[hbm4b:s0+s2] =	stream.linear.scatter [tilespmem:s19], [sflag:$0x9], $0x4000, $0x38;
	[tilespmem:$0x11000] =	vst v63  }
0x221: {  	_ =	swait.ge [sflag:s29], $0x4000  }
0x222: {  	[sflag:s29] =	ssyncset.done $0x0  }
0x223: {  	s4 =	rddreg [dreg:$0x1e];
	[sflag:s29] =	ssyncadd.s32 $0xFFFFC000  }
0x224: {  	[tilespmem:s20], [sflag:$0x8] =	stream.indirect.gather [hbm4b:s3+s16], $0x80, s4, s16, $0xb8;
	[tilespmem:$0x11000] =	vst v63  }
0x225: {  	_ =	swait.ge [sflag:s21], $0x4000  }
0x226: {  	[sflag:s21] =	ssyncset.done $0x0  }
0x227: {  	s4 =	sadd.s32 $0xA800, s6;
	[sflag:s21] =	ssyncadd.s32 $0xFFFFC000  }
0x228: {  	[hbm4b:s4+s2] =	stream.linear.scatter [tilespmem:s22], [sflag:$0xA], $0x4000, $0x38;
	[tilespmem:$0x11000] =	vst v63  }
0x229: {  	s12 =	sadd.s32 $0x1000, s12;
	p1 =	seq.s32 s13, $0x180000;
	_ =	swait.ge [sflag:s9], $0x400  }
0x22a: {  	s0 =	sshrl.u32 @!p1 s12, $0x3;
	[sflag:s9] =	ssyncset.done $0x0  }
0x22b: {  	s0 =	sadd.s32 @!p1 s14, s0;
	s4 =	simm.s32 @!p1 $0x0;
	[sflag:s9] =	ssyncadd.s32 $0xFFFFFC00  }
0x22c: {  	[tilespmem:s4], [sflag:$0x1] =	stream.linear.gather @!p1 [hbm4b:s0+s4], $0x400, $0x38;
	[tilespmem:$0x11000] =	vst v63  }
0x22d: {  	_ =	swait.ge [sflag:s23], $0x4000  }
0x22e: {  	[sflag:s23] =	ssyncset.done $0x0  }
0x22f: {  	[sflag:s23] =	ssyncadd.s32 $0xFFFFC000  }
0x230: {  	[tilespmem:s19], [sflag:$0x5] =	stream.indirect.gather [hbm4b:s3+s16], $0x80, s1, s16, $0xb8;
	[tilespmem:$0x11000] =	vst v63  }
0x231: {  	_ =	swait.ge [sflag:s24], $0x4000  }
0x232: {  	[sflag:s24] =	ssyncset.done $0x0  }
0x233: {  	s4 =	sadd.s32 $0xB000, s6;
	[sflag:s24] =	ssyncadd.s32 $0xFFFFC000  }
0x234: {  	[hbm4b:s4+s2] =	stream.linear.scatter [tilespmem:s17], [sflag:$0xB], $0x4000, $0x38;
	[tilespmem:$0x11000] =	vst v63  }
0x235: {  	_ =	swait.ge [sflag:s25], $0x4000  }
0x236: {  	[sflag:s25] =	ssyncset.done $0x0  }
0x237: {  	s1 =	rddreg [dreg:$0x1f];
	[sflag:s25] =	ssyncadd.s32 $0xFFFFC000  }
0x238: {  	[tilespmem:s22], [sflag:$0x6] =	stream.indirect.gather [hbm4b:s3+s16], $0x80, s1, s16, $0xb8;
	[tilespmem:$0x11000] =	vst v63  }
0x239: {  	_ =	swait.ge [sflag:s26], $0x4000  }
0x23a: {  	[sflag:s26] =	ssyncset.done $0x0  }
0x23b: {  	s4 =	sadd.s32 $0xB800, s6;
	[sflag:s26] =	ssyncadd.s32 $0xFFFFC000  }
0x23c: {  	[hbm4b:s4+s2] =	stream.linear.scatter [tilespmem:s20], [sflag:$0xC], $0x4000, $0x38;
	[tilespmem:$0x11000] =	vst v63  }
0x23d: {  	_ =	swait.ge [sflag:s28], $0x4000  }
0x23e: {  	s1 =	sld [smem:$0x7F8]  }
0x23f: {  	[sflag:s28] =	ssyncset.done $0x0  }
0x240: {  	[sflag:s28] =	ssyncadd.s32 $0xFFFFC000  }
0x241: {  	[tilespmem:s17], [sflag:$0x7] =	stream.indirect.gather [hbm4b:s3+s16], $0x80, s1, s16, $0xb8;
	[tilespmem:$0x11000] =	vst v63  }
0x242: {  	_ =	swait.ge [sflag:s18], $0x4000  }
0x243: {  	s4 =	rddreg [dreg:$0x5];
	[sflag:s18] =	ssyncset.done $0x0  }
0x244: {  	[sflag:s18] =	ssyncadd.s32 $0xFFFFC000;
	s0 =	sadd.s32 s13, s4  }
0x245: {  	[hbm4b:s0+s2] =	stream.linear.scatter [tilespmem:s19], [sflag:$0x9], $0x4000, $0x38;
	[tilespmem:$0x11000] =	vst v63  }
0x246: {  	_ =	swait.ge [sflag:s29], $0x4000  }
0x247: {  	s1 =	sld [smem:$0x7F9]  }
0x248: {  	[sflag:s29] =	ssyncset.done $0x0  }
0x249: {  	[sflag:s29] =	ssyncadd.s32 $0xFFFFC000  }
0x24a: {  	[tilespmem:s20], [sflag:$0x8] =	stream.indirect.gather [hbm4b:s3+s16], $0x80, s1, s16, $0xb8;
	[tilespmem:$0x11000] =	vst v63  }
0x24b: {  	_ =	swait.ge [sflag:s21], $0x4000  }
0x24c: {  	[sflag:s21] =	ssyncset.done $0x0  }
0x24d: {  	s4 =	sadd.s32 $0xC800, s6;
	[sflag:s21] =	ssyncadd.s32 $0xFFFFC000  }
0x24e: {  	[hbm4b:s4+s2] =	stream.linear.scatter [tilespmem:s22], [sflag:$0xA], $0x4000, $0x38;
	[tilespmem:$0x11000] =	vst v63  }
0x24f: {  	_ =	swait.ge [sflag:s23], $0x4000  }
0x250: {  	s1 =	sld [smem:$0x7FA]  }
0x251: {  	[sflag:s23] =	ssyncset.done $0x0  }
0x252: {  	[sflag:s23] =	ssyncadd.s32 $0xFFFFC000  }
0x253: {  	[tilespmem:s19], [sflag:$0x5] =	stream.indirect.gather [hbm4b:s3+s16], $0x80, s1, s16, $0xb8;
	[tilespmem:$0x11000] =	vst v63  }
0x254: {  	_ =	swait.ge [sflag:s24], $0x4000  }
0x255: {  	[sflag:s24] =	ssyncset.done $0x0  }
0x256: {  	s4 =	sadd.s32 $0xD000, s6;
	[sflag:s24] =	ssyncadd.s32 $0xFFFFC000  }
0x257: {  	[hbm4b:s4+s2] =	stream.linear.scatter [tilespmem:s17], [sflag:$0xB], $0x4000, $0x38;
	[tilespmem:$0x11000] =	vst v63  }
0x258: {  	_ =	swait.ge [sflag:s25], $0x4000  }
0x259: {  	s1 =	sld [smem:$0x7FB]  }
0x25a: {  	[sflag:s25] =	ssyncset.done $0x0  }
0x25b: {  	[sflag:s25] =	ssyncadd.s32 $0xFFFFC000  }
0x25c: {  	[tilespmem:s22], [sflag:$0x6] =	stream.indirect.gather [hbm4b:s3+s16], $0x80, s1, s16, $0xb8;
	[tilespmem:$0x11000] =	vst v63  }
0x25d: {  	_ =	swait.ge [sflag:s26], $0x4000  }
0x25e: {  	[sflag:s26] =	ssyncset.done $0x0  }
0x25f: {  	s4 =	sadd.s32 $0xD800, s6;
	[sflag:s26] =	ssyncadd.s32 $0xFFFFC000  }
0x260: {  	[hbm4b:s4+s2] =	stream.linear.scatter [tilespmem:s20], [sflag:$0xC], $0x4000, $0x38;
	[tilespmem:$0x11000] =	vst v63  }
0x261: {  	_ =	swait.ge [sflag:s28], $0x4000  }
0x262: {  	s1 =	sld [smem:$0x7FC]  }
0x263: {  	[sflag:s28] =	ssyncset.done $0x0  }
0x264: {  	[sflag:s28] =	ssyncadd.s32 $0xFFFFC000  }
0x265: {  	[tilespmem:s17], [sflag:$0x7] =	stream.indirect.gather [hbm4b:s3+s16], $0x80, s1, s16, $0xb8;
	[tilespmem:$0x11000] =	vst v63  }
0x266: {  	_ =	swait.ge [sflag:s18], $0x4000  }
0x267: {  	s4 =	rddreg [dreg:$0x6];
	[sflag:s18] =	ssyncset.done $0x0  }
0x268: {  	[sflag:s18] =	ssyncadd.s32 $0xFFFFC000;
	s0 =	sadd.s32 s13, s4  }
0x269: {  	[hbm4b:s0+s2] =	stream.linear.scatter [tilespmem:s19], [sflag:$0x9], $0x4000, $0x38;
	[tilespmem:$0x11000] =	vst v63  }
0x26a: {  	s7 =	sadd.s32 $0x10000, s7;
	_ =	swait.ge [sflag:s29], $0x4000  }
0x26b: {  	p0 =	sne.s32 s7, $0x190000;
	s13 =	sld [smem:$0x7FD]  }
.Ltmp0:
0x26c: {  	[sflag:s29] =	ssyncset.done $0x0;
	(pc) =	sbr.rel @p0 .LBB2_2-.Ltmp0, $4  }
0x26d: {  	s11 =	sadd.s32 $0x200, s11;
	[sflag:s29] =	ssyncadd.s32 $0xFFFFC000  }
0x26e: {  	[tilespmem:s20], [sflag:$0x8] =	stream.indirect.gather [hbm4b:s3+s16], $0x80, s13, s16, $0xb8;
	[tilespmem:$0x11000] =	vst v63  }
0x26f: {  	s15 =	simm.s32 $0x1;
	s8 =	sadd.s32 $0x200, s8;
	_ =	swait.ge [sflag:s21], $0x4000  }
0x270: {  	s10 =	sadd.s32 $0x200, s10;
	s6 =	sadd.s32 $0xE800, s6;
	[sflag:s21] =	ssyncset.done $0x0  }
0x271: {  	[sflag:s21] =	ssyncadd.s32 $0xFFFFC000  }
0x272: {  	[hbm4b:s6+s2] =	stream.linear.scatter [tilespmem:s22], [sflag:$0xA], $0x4000, $0x38;
	[tilespmem:$0x11000] =	vst v63  }
0x273: {  	_ =	swait.ge [sflag:s24], $0x4000  }
0x274: {  	s0 =	sld [smem:$0x7F1]  }
0x275: {  	[sflag:s24] =	ssyncset.done $0x0  }
0x276: {  	[sflag:s24] =	ssyncadd.s32 $0xFFFFC000  }
0x277: {  	[hbm4b:s0+s2] =	stream.linear.scatter [tilespmem:s17], [sflag:$0xB], $0x4000, $0x38;
	[tilespmem:$0x11000] =	vst v63  }
0x278: {  	_ =	swait.ge [sflag:s26], $0x4000  }
0x279: {  	s12 =	sld [smem:$0x7F2]  }
0x27a: {  	[sflag:s26] =	ssyncset.done $0x0  }
0x27b: {  	[sflag:s26] =	ssyncadd.s32 $0xFFFFC000  }
0x27c: {  	[hbm4b:s12+s2] =	stream.linear.scatter [tilespmem:s20], [sflag:$0xC], $0x4000, $0x38;
	[tilespmem:$0x11000] =	vst v63  }
0x27d: {  	_ =	swait.ge [sflag:s23], $0x4000  }
0x27e: {  	[sflag:s23] =	ssyncset.done $0x0  }
0x27f: {  	[sflag:s23] =	ssyncadd.s32 $0xFFFFC000  }
0x280: {  	_ =	swait.ge [sflag:s25], $0x4000  }
0x281: {  	[sflag:s25] =	ssyncset.done $0x0  }
0x282: {  	[sflag:s25] =	ssyncadd.s32 $0xFFFFC000  }
0x283: {  	_ =	swait.ge [sflag:s28], $0x4000  }
0x284: {  	[sflag:s28] =	ssyncset.done $0x0  }
0x285: {  	[sflag:s28] =	ssyncadd.s32 $0xFFFFC000  }
0x286: {  	_ =	swait.ge [sflag:s29], $0x4000  }
0x287: {  	s4 =	sld [smem:$0x7EF]  }
0x288: {  	s13 =	sld [smem:$0x7F3];
	_ =	sdelay $0x1  }
0x289: {  	s4 =	sadd.s32 $0x1, s4  }
0x28a: {  	p0 =	sne.s32 s4, s13  }
.Ltmp1:
0x28b: {  	_ = 	snop;
	(pc) =	sbr.rel @p0 .LBB2_1-.Ltmp1, $3  }
0x28c: {  	_ =	sdelay $0x1  }
0x28d: {  	[sflag:s29] =	ssyncset.done $0x0  }
0x28e: {  	s1 =	simm.s32 $0x3;
	s9 =	smov.u32 s5;
	[sflag:s29] =	ssyncadd.s32 $0xFFFFC000  }
0x28f: {  	_ =	sfence.sel $0x180000  }
0x290: {  	[bflag:$0x0] =	sbarrier.arrive $0xFFFF  }
0x291: {  	_ =	strace $0x90000047  }
0x292: {  	s0 =	stileid.u32;
	[bflag:$0x2] =	sbarrier.arrive $0xFFFF  }
0x293: {  	p0 =	sne.s32 s0, $0x0;
	s0 =	rddreg [dreg:$0x2]  }
0x294: {  	s0 =	sadd.s32 @!p0 $0x100000, s0  }
0x295: {  	[sflag:s0] =	ssyncadd.tile.s32 @!p0 $0x1;
	_ =	shalt  }
.Lfunc_end2:
_tile_overlayer_lowered:
.L_overlay_start_2:
0x296: {  	(tag) =	ssettag $0x2  }
0x297: {  	s0 =	rddreg [dreg:$0x0];
	s2 =	stileid.u32  }
0x298: {  	s1 =	rddreg [dreg:$0x1];
	p0 =	sne.s32 s2, $0x0  }
0x299: {  	s3 =	rddreg [dreg:$0x2];
	[bflag:$0x3] =	sbarrier.arrive $0xFFFF;
	s2 =	simm.s32 @!p0 $0x1C0D  }
0x29a: {  	[timem:s3], [sflag:s2] =	dma.local @!p0 [hbm:s0], s1  }
0x29b: {  	s0 =	simm.s32 @!p0 $0xD  }
0x29c: {  	_ =	swait.ge @!p0 [sflag:s0], s1  }
0x29d: {  	s1 =	ssub.s32 @!p0 $0x0, s1;
	[sflag:s0] =	ssyncset.done @!p0 $0x0  }
0x29e: {  	[sflag:s0] =	ssyncadd.s32 @!p0 s1  }
0x29f: {  	[bflag:$0x3] =	sbarrier.arrive $0xFFFF  }
0x2a0: {  	_ =	shalt  }

</sc_bundles>
